<compile_context>
chip_gen: v7x
topology: tpu7x:2x2x1
jax: 0.10.2.dev20260603
libtpu: 0.0.44.dev20260713+nightly
codegen_flags: <defaults>
</compile_context>

<pallas_src>
import jax
import jax.numpy as jnp
from jax import lax
from jax.experimental import pallas as pl
from jax.experimental.pallas import tpu as pltpu
from jax.experimental.pallas import tpu_sc as plsc

_B, _S = 4, 8192
_D = 768
_MAX_SEQ = 1024
_N = _B * _S

_NC, _NS = 2, 16
_NW = _NC * _NS
_CHUNK = _N // _NW
_WPR = _S // _CHUNK
_L = 16
_G = _CHUNK // _L
_SLOTS = 4


def _abacus_body(ids_hbm, table_hbm, out_hbm, ids_row, idx_v, stage, dirty,
                 table_sh, sem_out_a, sem_out_b, sem_cp):
    cid = lax.axis_index("c")
    sid = lax.axis_index("s")
    w = sid * _NC + cid
    row = w // _WPR
    lbase = (w % _WPR) * _CHUNK

    trows = _MAX_SEQ // _NS
    tbase = pl.multiple_of(sid * trows, trows)
    tstage = pltpu.async_copy(table_hbm.at[pl.ds(tbase, trows)],
                              table_sh.at[pl.ds(tbase, trows)], sem_cp)
    pltpu.sync_copy(ids_hbm.at[pl.ds(pl.multiple_of(row * _S, _S), _S)],
                    ids_row)

    iota = lax.iota(jnp.int32, _L)
    ones = jnp.full((_L,), 1, jnp.int32)
    for s in range(_SLOTS):
        dirty[pl.ds(s * _L, _L)] = ones

    def prefix_body(i, vmax):
        ts = []
        for u in range(4):
            off = pl.multiple_of(i * 4 * _L + u * _L, _L)
            v = ids_row[pl.ds(off, _L)]
            dig = (v >= 4) & (v <= 13)
            ts.append(jnp.where(dig, -1, i * 4 * _L + u * _L + iota))
        return jnp.maximum(vmax,
                           jnp.maximum(jnp.maximum(ts[0], ts[1]),
                                       jnp.maximum(ts[2], ts[3])))

    vmax0 = jnp.full((_L,), -1, jnp.int32)
    vmax = lax.fori_loop(0, lbase // (4 * _L), prefix_body, vmax0)
    carry0 = jnp.max(vmax)

    def scan_body(i, carry):
        off = lbase + i * _L
        v = ids_row[pl.ds(pl.multiple_of(off, _L), _L)]
        dig = (v >= 4) & (v <= 13)
        pos16 = off + iota
        t = jnp.where(dig, -1, pos16)
        m = jnp.maximum(plsc.cummax(t), carry)
        res = jnp.minimum((pos16 - m) * dig.astype(jnp.int32), _MAX_SEQ - 1)
        idx_v[pl.ds(pl.multiple_of(i * _L, _L), _L)] = res
        return jnp.max(m)

    lax.fori_loop(0, _CHUNK // _L, scan_body, carry0)

    tstage.wait()
    plsc.subcore_barrier()

    obase = w * _CHUNK

    def group_body(g, pending):
        slot = pl.multiple_of((g % _SLOTS) * _L, _L)

        @pl.when((g % 4 == 0) & (g >= _SLOTS))
        def _drain_a():
            pltpu.make_async_copy(out_hbm.at[pl.ds(0, 2 * _L)],
                                  stage.at[pl.ds(0, 2 * _L)], sem_out_a).wait()

        @pl.when((g % 4 == 2) & (g >= _SLOTS))
        def _drain_b():
            pltpu.make_async_copy(out_hbm.at[pl.ds(0, 2 * _L)],
                                  stage.at[pl.ds(0, 2 * _L)], sem_out_b).wait()

        pv = idx_v[pl.ds(pl.multiple_of(g * _L, _L), _L)]
        dv = dirty[pl.ds(slot, _L)]
        need = ((pv > 0) | (dv > 0)).astype(jnp.int32)

        cnt = jnp.sum(need)

        @pl.when(cnt > 0)
        def _build():
            enc = pv + need * 65536
            es = [enc[l] for l in range(_L)]
            for l in range(_L):
                @pl.when(es[l] >= 65536)
                def _copy_row(e=es[l], l=l):
                    pltpu.async_copy(table_sh.at[e - 65536],
                                     stage.at[slot + l], sem_cp)

        dirty[pl.ds(slot, _L)] = (pv > 0).astype(jnp.int32)

        total = pending + cnt
        wait_n = jnp.where(g % 2 == 1, total, 0)

        def wait_body(i, c):
            pltpu.make_async_copy(table_hbm.at[0], stage.at[0],
                                  sem_cp).wait()
            return c

        lax.fori_loop(0, wait_n, wait_body, 0)

        @pl.when(g % 4 == 1)
        def _scatter_a():
            pltpu.async_copy(
                stage.at[pl.ds(0, 2 * _L)],
                out_hbm.at[pl.ds(
                    pl.multiple_of(obase + (g - 1) * _L, 2 * _L), 2 * _L)],
                sem_out_a)

        @pl.when(g % 4 == 3)
        def _scatter_b():
            pltpu.async_copy(
                stage.at[pl.ds(2 * _L, 2 * _L)],
                out_hbm.at[pl.ds(
                    pl.multiple_of(obase + (g - 1) * _L, 2 * _L), 2 * _L)],
                sem_out_b)

        return jnp.where(g % 2 == 1, 0, total)

    lax.fori_loop(0, _G, group_body, jnp.int32(0))

    pltpu.make_async_copy(out_hbm.at[pl.ds(0, 2 * _L)],
                          stage.at[pl.ds(0, 2 * _L)], sem_out_a).wait()
    pltpu.make_async_copy(out_hbm.at[pl.ds(0, 2 * _L)],
                          stage.at[pl.ds(0, 2 * _L)], sem_out_b).wait()


@jax.jit
def kernel(input_ids, table):
    mesh = plsc.VectorSubcoreMesh(core_axis_name="c", subcore_axis_name="s")
    run = pl.kernel(
        _abacus_body,
        out_type=jax.ShapeDtypeStruct((_N, _D), jnp.float32),
        mesh=mesh,
        scratch_types=[
            pltpu.VMEM((_S,), jnp.int32),
            pltpu.VMEM((_CHUNK,), jnp.int32),
            pltpu.VMEM((_SLOTS * _L, _D), jnp.float32),
            pltpu.VMEM((_SLOTS * _L,), jnp.int32),
            pltpu.VMEM_SHARED((_MAX_SEQ, _D), jnp.float32),
            pltpu.SemaphoreType.DMA,
            pltpu.SemaphoreType.DMA,
            pltpu.SemaphoreType.DMA,
        ],
        compiler_params=pltpu.CompilerParams(needs_layout_passes=False),
    )
    out = run(input_ids.reshape(-1), table)
    return out.reshape(_B, _S, _D)

# --- scband reference (transcript-rebuilt; emitter-appended) ---
"""Pipeline reference for scband-abacus-68092411510942 (READ-ONLY COPY).

The authoritative reference and input builder live on the scoring server;
editing this copy changes nothing except your own understanding.
"""

import jax, jax.numpy as jnp
import numpy as np

B, S = 4, 8192
EMBED_DIM = 768
MAX_SEQ = 1024
VOCAB = 118


def setup_inputs(seed: int = 0) -> dict:
    key = jax.random.key(seed)
    k1, k2 = jax.random.split(key)
    input_ids = jax.random.randint(k1, (B, S), 0, VOCAB, dtype=jnp.int32)
    table = jax.random.normal(k2, (MAX_SEQ, EMBED_DIM), dtype=jnp.float32) * 0.02
    return {"input_ids": input_ids, "table": table}


def _abacus_positions(input_ids):
    # mask of digit tokens (ids 4..13)
    mask = (input_ids >= 4) & (input_ids <= 13)
    Bm, Sm = mask.shape
    shifted_mask = jnp.concatenate(
        [jnp.zeros((Bm, 1), dtype=mask.dtype), mask[:, :-1]], axis=1
    )
    starts = (shifted_mask != mask) & mask
    segment_ids = jnp.cumsum(starts.astype(jnp.int32), axis=1)
    index = jnp.broadcast_to(jnp.arange(Sm, dtype=jnp.int32)[None, :], (Bm, Sm))
    second_term = index * starts.astype(jnp.int32)
    rows = jnp.arange(Bm, dtype=jnp.int32)[:, None]
    # scatter_add along dim 1: reset_index[b, segment_ids[b, j]] += second_term[b, j]
    reset_index = jnp.zeros((Bm, Sm), dtype=jnp.int32).at[rows, segment_ids].add(second_term)
    # gather along dim 1
    gathered = reset_index[rows, segment_ids]
    positions = index - gathered + 1
    result = positions * mask.astype(jnp.int32)
    return result


def reference(input_ids, table):
    # eval mode: k = 0, no random offset added
    result = _abacus_positions(input_ids)
    # embedding lookup (gather rows of the learned table)
    return jnp.take(table, result, axis=0)

if __name__ == "__main__":
    import jax
    _d = setup_inputs()
    print(jax.jit(kernel)(*tuple(_d.values())))

</pallas_src>

<mosaic_0001>
#map = affine_map<(d0, d1) -> (0)>
#map1 = affine_map<(d0, d1) -> (0, 0)>
module attributes {stable_mosaic.version = 14 : i64} {
  func.func @_abacus_body(%arg0: i32, %arg1: i32, %arg2: memref<32768xi32, #tpu.memory_space<hbm>>, %arg3: memref<1024x768xf32, #tpu.memory_space<hbm>>, %arg4: memref<32768x768xf32, #tpu.memory_space<hbm>>, %arg5: memref<8192xi32, #tpu.memory_space<vmem>>, %arg6: memref<1024xi32, #tpu.memory_space<vmem>>, %arg7: memref<64x768xf32, #tpu.memory_space<vmem>>, %arg8: memref<64xi32, #tpu.memory_space<vmem>>, %arg9: memref<1024x768xf32, #tpu.memory_space<vmem_shared>>, %arg10: memref<!tpu.dma_semaphore, #tpu.memory_space<semaphore_mem>>, %arg11: memref<!tpu.dma_semaphore, #tpu.memory_space<semaphore_mem>>, %arg12: memref<!tpu.dma_semaphore, #tpu.memory_space<semaphore_mem>>) attributes {dimension_semantics = [#tpu.dimension_semantics<core_parallel>, #tpu.dimension_semantics<subcore_parallel>], iteration_bounds = array<i64: 2, 16>, scalar_prefetch = 0 : i64, scratch_operands = 8 : i64, tpu.core_type = #tpu.core_type<sc_vector_subcore>, window_params = [{transform_indices = #map}, {transform_indices = #map1}, {transform_indices = #map1}]} {
    %mul3A = arith.constant 2 : i32
    %mul3A_0 = arith.muli %arg1, %mul3A : i32
    %add3A = arith.addi %mul3A_0, %arg0 : i32
    %jit3A = arith.constant 8 : i32
    %div3A = arith.divsi %add3A, %jit3A : i32
    %sign3A = arith.constant 0 : i32
    %sign3A_1 = arith.cmpi sgt, %add3A, %sign3A : i32
    %sign3A_2 = arith.extui %sign3A_1 : i1 to i32
    %sign3A_3 = arith.constant 0 : i32
    %sign3A_4 = arith.cmpi slt, %add3A, %sign3A_3 : i32
    %sign3A_5 = arith.extui %sign3A_4 : i1 to i32
    %sign3A_6 = arith.subi %sign3A_2, %sign3A_5 : i32
    %sign3A_7 = arith.constant 0 : i32
    %sign3A_8 = arith.cmpi sgt, %jit3A, %sign3A_7 : i32
    %sign3A_9 = arith.extui %sign3A_8 : i1 to i32
    %sign3A_10 = arith.constant 0 : i32
    %sign3A_11 = arith.cmpi slt, %jit3A, %sign3A_10 : i32
    %sign3A_12 = arith.extui %sign3A_11 : i1 to i32
    %sign3A_13 = arith.subi %sign3A_9, %sign3A_12 : i32
    %ne3A = arith.cmpi ne, %sign3A_6, %sign3A_13 : i32
    %rem3A = arith.remsi %add3A, %jit3A : i32
    %ne3A_14 = arith.constant 0 : i32
    %ne3A_15 = arith.cmpi ne, %rem3A, %ne3A_14 : i32
    %and3A = arith.andi %ne3A, %ne3A_15 : i1
    %sub3A = arith.constant 1 : i32
    %sub3A_16 = arith.subi %div3A, %sub3A : i32
    %select_n3A = arith.select %and3A, %sub3A_16, %div3A : i32
    %jit3A_17 = arith.constant 8 : i32
    %eq3A = arith.constant 0 : i32
    %eq3A_18 = arith.cmpi eq, %jit3A_17, %eq3A : i32
    %jit3A_19 = arith.constant 1 : i32
    %select_n3A_20 = arith.select %eq3A_18, %jit3A_19, %jit3A_17 : i32
    %rem3A_21 = arith.remsi %add3A, %select_n3A_20 : i32
    %ne3A_22 = arith.constant 0 : i32
    %ne3A_23 = arith.cmpi ne, %rem3A_21, %ne3A_22 : i32
    %lt3A = arith.constant 0 : i32
    %lt3A_24 = arith.cmpi slt, %rem3A_21, %lt3A : i32
    %lt3A_25 = arith.constant 0 : i32
    %lt3A_26 = arith.cmpi slt, %select_n3A_20, %lt3A_25 : i32
    %ne3A_27 = arith.xori %lt3A_24, %lt3A_26 : i1
    %and3A_28 = arith.andi %ne3A_27, %ne3A_23 : i1
    %add3A_29 = arith.addi %rem3A_21, %select_n3A_20 : i32
    %select_n3A_30 = arith.select %and3A_28, %add3A_29, %rem3A_21 : i32
    %mul3A_31 = arith.constant 1024 : i32
    %mul3A_32 = arith.muli %select_n3A_30, %mul3A_31 : i32
    %mul3A_33 = arith.constant 64 : i32
    %mul3A_34 = arith.muli %arg1, %mul3A_33 : i32
    %multiple_of3A = tpu.assume_multiple %mul3A_34, 64 : i32
    %dma_start3A = arith.constant 0 : i32
    %dma_start3A_35 = tpu.memref_slice %arg9[%multiple_of3A, %dma_start3A] : memref<1024x768xf32, #tpu.memory_space<vmem_shared>> -> memref<64x768xf32, #tpu.memory_space<vmem_shared>>
    %dma_start3A_36 = arith.constant 0 : i32
    %dma_start3A_37 = tpu.memref_slice %arg3[%multiple_of3A, %dma_start3A_36] : memref<1024x768xf32, #tpu.memory_space<hbm>> -> memref<64x768xf32, #tpu.memory_space<hbm>>
    tpu.enqueue_dma source(%dma_start3A_37 : memref<64x768xf32, #tpu.memory_space<hbm>>) target(%dma_start3A_35 : memref<64x768xf32, #tpu.memory_space<vmem_shared>>) target_semaphore(%arg12 : memref<!tpu.dma_semaphore, #tpu.memory_space<semaphore_mem>>)
    %mul3A_38 = arith.constant 8192 : i32
    %mul3A_39 = arith.muli %select_n3A, %mul3A_38 : i32
    %multiple_of3A_40 = tpu.assume_multiple %mul3A_39, 8192 : i32
    "tpu.region"() ({
      %run_scoped3A = tpu.sem_alloc : memref<!tpu.dma_semaphore, #tpu.memory_space<semaphore_mem>>
      %dma_start3A_133 = tpu.memref_slice %arg2[%multiple_of3A_40] : memref<32768xi32, #tpu.memory_space<hbm>> -> memref<8192xi32, #tpu.memory_space<hbm>>
      %dma_start3A_134 = tpu.memref_slice %arg2[%multiple_of3A_40] : memref<32768xi32, #tpu.memory_space<hbm>> -> memref<8192xi32, #tpu.memory_space<hbm>>
      tpu.enqueue_dma source(%dma_start3A_134 : memref<8192xi32, #tpu.memory_space<hbm>>) target(%arg5 : memref<8192xi32, #tpu.memory_space<vmem>>) target_semaphore(%run_scoped3A : memref<!tpu.dma_semaphore, #tpu.memory_space<semaphore_mem>>)
      %dma_wait3A_135 = tpu.memref_slice %arg2[%multiple_of3A_40] : memref<32768xi32, #tpu.memory_space<hbm>> -> memref<8192xi32, #tpu.memory_space<hbm>>
      %dma_wait3A_136 = tpu.memref_slice %arg2[%multiple_of3A_40] : memref<32768xi32, #tpu.memory_space<hbm>> -> memref<8192xi32, #tpu.memory_space<hbm>>
      tpu.wait_dma2 semaphore(%run_scoped3A : memref<!tpu.dma_semaphore, #tpu.memory_space<semaphore_mem>>) src(%dma_wait3A_136 : memref<8192xi32, #tpu.memory_space<hbm>>) dst(%arg5 : memref<8192xi32, #tpu.memory_space<vmem>>)
      tpu.yield
    }) : () -> ()
    %iota3A = tpu.iota {dimensions = array<i32: 0>} : vector<16xi32>
    %broadcast_in_dim3A = arith.constant 1 : i32
    %broadcast_in_dim3A_41 = vector.broadcast %broadcast_in_dim3A : i32 to vector<16xi32>
    %swap3A = arith.constant 0 : index
    %swap3A_42 = tpu.vector_load %arg8[%swap3A] {strides = array<i32>} : memref<64xi32, #tpu.memory_space<vmem>>, vector<16xi32>,
    tpu.vector_store %arg8[%swap3A], %broadcast_in_dim3A_41 {strides = array<i32>} : memref<64xi32, #tpu.memory_space<vmem>>, vector<16xi32>,
    %swap3A_43 = arith.constant 16 : index
    %swap3A_44 = tpu.vector_load %arg8[%swap3A_43] {strides = array<i32>} : memref<64xi32, #tpu.memory_space<vmem>>, vector<16xi32>,
    tpu.vector_store %arg8[%swap3A_43], %broadcast_in_dim3A_41 {strides = array<i32>} : memref<64xi32, #tpu.memory_space<vmem>>, vector<16xi32>,
    %swap3A_45 = arith.constant 32 : index
    %swap3A_46 = tpu.vector_load %arg8[%swap3A_45] {strides = array<i32>} : memref<64xi32, #tpu.memory_space<vmem>>, vector<16xi32>,
    tpu.vector_store %arg8[%swap3A_45], %broadcast_in_dim3A_41 {strides = array<i32>} : memref<64xi32, #tpu.memory_space<vmem>>, vector<16xi32>,
    %swap3A_47 = arith.constant 48 : index
    %swap3A_48 = tpu.vector_load %arg8[%swap3A_47] {strides = array<i32>} : memref<64xi32, #tpu.memory_space<vmem>>, vector<16xi32>,
    tpu.vector_store %arg8[%swap3A_47], %broadcast_in_dim3A_41 {strides = array<i32>} : memref<64xi32, #tpu.memory_space<vmem>>, vector<16xi32>,
    %broadcast_in_dim3A_49 = arith.constant -1 : i32
    %broadcast_in_dim3A_50 = vector.broadcast %broadcast_in_dim3A_49 : i32 to vector<16xi32>
    %jit3A_51 = arith.constant 64 : i32
    %div3A_52 = arith.divsi %mul3A_32, %jit3A_51 : i32
    %sign3A_53 = arith.constant 0 : i32
    %sign3A_54 = arith.cmpi sgt, %mul3A_32, %sign3A_53 : i32
    %sign3A_55 = arith.extui %sign3A_54 : i1 to i32
    %sign3A_56 = arith.constant 0 : i32
    %sign3A_57 = arith.cmpi slt, %mul3A_32, %sign3A_56 : i32
    %sign3A_58 = arith.extui %sign3A_57 : i1 to i32
    %sign3A_59 = arith.subi %sign3A_55, %sign3A_58 : i32
    %sign3A_60 = arith.constant 0 : i32
    %sign3A_61 = arith.cmpi sgt, %jit3A_51, %sign3A_60 : i32
    %sign3A_62 = arith.extui %sign3A_61 : i1 to i32
    %sign3A_63 = arith.constant 0 : i32
    %sign3A_64 = arith.cmpi slt, %jit3A_51, %sign3A_63 : i32
    %sign3A_65 = arith.extui %sign3A_64 : i1 to i32
    %sign3A_66 = arith.subi %sign3A_62, %sign3A_65 : i32
    %ne3A_67 = arith.cmpi ne, %sign3A_59, %sign3A_66 : i32
    %rem3A_68 = arith.remsi %mul3A_32, %jit3A_51 : i32
    %ne3A_69 = arith.constant 0 : i32
    %ne3A_70 = arith.cmpi ne, %rem3A_68, %ne3A_69 : i32
    %and3A_71 = arith.andi %ne3A_67, %ne3A_70 : i1
    %sub3A_72 = arith.constant 1 : i32
    %sub3A_73 = arith.subi %div3A_52, %sub3A_72 : i32
    %select_n3A_74 = arith.select %and3A_71, %sub3A_73, %div3A_52 : i32
    %while3A = arith.constant 0 : i32
    %while3A_75 = arith.subi %select_n3A_74, %while3A : i32
    %while3A_76 = arith.addi %while3A, %while3A_75 : i32
    %while3A_77 = arith.constant 1 : i32
    %while3A_78 = arith.divsi %while3A_75, %while3A_77 : i32
    %while3A_79 = arith.muli %while3A_78, %while3A_77 : i32
    %while3A_80 = arith.addi %while3A, %while3A_79 : i32
    %while3A_81 = arith.constant 1 : i32
    %while3A_82 = scf.for %while3A_133 = %while3A to %while3A_80 step %while3A_81 iter_args(%while3A_134 = %broadcast_in_dim3A_50) -> (vector<16xi32>)  : i32 {
      %mul3A_135 = arith.constant 4 : i32
      %mul3A_136 = arith.muli %while3A_133, %mul3A_135 : i32
      %mul3A_137 = arith.constant 16 : i32
      %mul3A_138 = arith.muli %mul3A_136, %mul3A_137 : i32
      %add3A_139 = arith.constant 0 : i32
      %add3A_140 = arith.addi %mul3A_138, %add3A_139 : i32
      %multiple_of3A_141 = tpu.assume_multiple %add3A_140, 16 : i32
      %get3A = arith.index_cast %multiple_of3A_141 : i32 to index
      %get3A_142 = tpu.vector_load %arg5[%get3A] {strides = array<i32>} : memref<8192xi32, #tpu.memory_space<vmem>>, vector<16xi32>,
      %ge3A = arith.constant 4 : i32
      %ge3A_143 = vector.broadcast %ge3A : i32 to vector<16xi32>
      %ge3A_144 = arith.cmpi sge, %get3A_142, %ge3A_143 : vector<16xi32>
      %le3A = arith.constant 13 : i32
      %le3A_145 = vector.broadcast %le3A : i32 to vector<16xi32>
      %le3A_146 = arith.cmpi sle, %get3A_142, %le3A_145 : vector<16xi32>
      %and3A_147 = arith.andi %ge3A_144, %le3A_146 : vector<16xi1>
      %mul3A_148 = arith.constant 4 : i32
      %mul3A_149 = arith.muli %while3A_133, %mul3A_148 : i32
      %mul3A_150 = arith.constant 16 : i32
      %mul3A_151 = arith.muli %mul3A_149, %mul3A_150 : i32
      %add3A_152 = arith.constant 0 : i32
      %add3A_153 = arith.addi %mul3A_151, %add3A_152 : i32
      %add3A_154 = vector.broadcast %add3A_153 : i32 to vector<16xi32>
      %add3A_155 = arith.addi %add3A_154, %iota3A : vector<16xi32>
      %jit3A_156 = arith.constant -1 : i32
      %broadcast_in_dim3A_157 = vector.broadcast %jit3A_156 : i32 to vector<16xi32>
      %select_n3A_158 = arith.select %and3A_147, %broadcast_in_dim3A_157, %add3A_155 : vector<16xi1>, vector<16xi32>
      %mul3A_159 = arith.constant 4 : i32
      %mul3A_160 = arith.muli %while3A_133, %mul3A_159 : i32
      %mul3A_161 = arith.constant 16 : i32
      %mul3A_162 = arith.muli %mul3A_160, %mul3A_161 : i32
      %add3A_163 = arith.constant 16 : i32
      %add3A_164 = arith.addi %mul3A_162, %add3A_163 : i32
      %multiple_of3A_165 = tpu.assume_multiple %add3A_164, 16 : i32
      %get3A_166 = arith.index_cast %multiple_of3A_165 : i32 to index
      %get3A_167 = tpu.vector_load %arg5[%get3A_166] {strides = array<i32>} : memref<8192xi32, #tpu.memory_space<vmem>>, vector<16xi32>,
      %ge3A_168 = arith.constant 4 : i32
      %ge3A_169 = vector.broadcast %ge3A_168 : i32 to vector<16xi32>
      %ge3A_170 = arith.cmpi sge, %get3A_167, %ge3A_169 : vector<16xi32>
      %le3A_171 = arith.constant 13 : i32
      %le3A_172 = vector.broadcast %le3A_171 : i32 to vector<16xi32>
      %le3A_173 = arith.cmpi sle, %get3A_167, %le3A_172 : vector<16xi32>
      %and3A_174 = arith.andi %ge3A_170, %le3A_173 : vector<16xi1>
      %mul3A_175 = arith.constant 4 : i32
      %mul3A_176 = arith.muli %while3A_133, %mul3A_175 : i32
      %mul3A_177 = arith.constant 16 : i32
      %mul3A_178 = arith.muli %mul3A_176, %mul3A_177 : i32
      %add3A_179 = arith.constant 16 : i32
      %add3A_180 = arith.addi %mul3A_178, %add3A_179 : i32
      %add3A_181 = vector.broadcast %add3A_180 : i32 to vector<16xi32>
      %add3A_182 = arith.addi %add3A_181, %iota3A : vector<16xi32>
      %jit3A_183 = arith.constant -1 : i32
      %broadcast_in_dim3A_184 = vector.broadcast %jit3A_183 : i32 to vector<16xi32>
      %select_n3A_185 = arith.select %and3A_174, %broadcast_in_dim3A_184, %add3A_182 : vector<16xi1>, vector<16xi32>
      %mul3A_186 = arith.constant 4 : i32
      %mul3A_187 = arith.muli %while3A_133, %mul3A_186 : i32
      %mul3A_188 = arith.constant 16 : i32
      %mul3A_189 = arith.muli %mul3A_187, %mul3A_188 : i32
      %add3A_190 = arith.constant 32 : i32
      %add3A_191 = arith.addi %mul3A_189, %add3A_190 : i32
      %multiple_of3A_192 = tpu.assume_multiple %add3A_191, 16 : i32
      %get3A_193 = arith.index_cast %multiple_of3A_192 : i32 to index
      %get3A_194 = tpu.vector_load %arg5[%get3A_193] {strides = array<i32>} : memref<8192xi32, #tpu.memory_space<vmem>>, vector<16xi32>,
      %ge3A_195 = arith.constant 4 : i32
      %ge3A_196 = vector.broadcast %ge3A_195 : i32 to vector<16xi32>
      %ge3A_197 = arith.cmpi sge, %get3A_194, %ge3A_196 : vector<16xi32>
      %le3A_198 = arith.constant 13 : i32
      %le3A_199 = vector.broadcast %le3A_198 : i32 to vector<16xi32>
      %le3A_200 = arith.cmpi sle, %get3A_194, %le3A_199 : vector<16xi32>
      %and3A_201 = arith.andi %ge3A_197, %le3A_200 : vector<16xi1>
      %mul3A_202 = arith.constant 4 : i32
      %mul3A_203 = arith.muli %while3A_133, %mul3A_202 : i32
      %mul3A_204 = arith.constant 16 : i32
      %mul3A_205 = arith.muli %mul3A_203, %mul3A_204 : i32
      %add3A_206 = arith.constant 32 : i32
      %add3A_207 = arith.addi %mul3A_205, %add3A_206 : i32
      %add3A_208 = vector.broadcast %add3A_207 : i32 to vector<16xi32>
      %add3A_209 = arith.addi %add3A_208, %iota3A : vector<16xi32>
      %jit3A_210 = arith.constant -1 : i32
      %broadcast_in_dim3A_211 = vector.broadcast %jit3A_210 : i32 to vector<16xi32>
      %select_n3A_212 = arith.select %and3A_201, %broadcast_in_dim3A_211, %add3A_209 : vector<16xi1>, vector<16xi32>
      %mul3A_213 = arith.constant 4 : i32
      %mul3A_214 = arith.muli %while3A_133, %mul3A_213 : i32
      %mul3A_215 = arith.constant 16 : i32
      %mul3A_216 = arith.muli %mul3A_214, %mul3A_215 : i32
      %add3A_217 = arith.constant 48 : i32
      %add3A_218 = arith.addi %mul3A_216, %add3A_217 : i32
      %multiple_of3A_219 = tpu.assume_multiple %add3A_218, 16 : i32
      %get3A_220 = arith.index_cast %multiple_of3A_219 : i32 to index
      %get3A_221 = tpu.vector_load %arg5[%get3A_220] {strides = array<i32>} : memref<8192xi32, #tpu.memory_space<vmem>>, vector<16xi32>,
      %ge3A_222 = arith.constant 4 : i32
      %ge3A_223 = vector.broadcast %ge3A_222 : i32 to vector<16xi32>
      %ge3A_224 = arith.cmpi sge, %get3A_221, %ge3A_223 : vector<16xi32>
      %le3A_225 = arith.constant 13 : i32
      %le3A_226 = vector.broadcast %le3A_225 : i32 to vector<16xi32>
      %le3A_227 = arith.cmpi sle, %get3A_221, %le3A_226 : vector<16xi32>
      %and3A_228 = arith.andi %ge3A_224, %le3A_227 : vector<16xi1>
      %mul3A_229 = arith.constant 4 : i32
      %mul3A_230 = arith.muli %while3A_133, %mul3A_229 : i32
      %mul3A_231 = arith.constant 16 : i32
      %mul3A_232 = arith.muli %mul3A_230, %mul3A_231 : i32
      %add3A_233 = arith.constant 48 : i32
      %add3A_234 = arith.addi %mul3A_232, %add3A_233 : i32
      %add3A_235 = vector.broadcast %add3A_234 : i32 to vector<16xi32>
      %add3A_236 = arith.addi %add3A_235, %iota3A : vector<16xi32>
      %jit3A_237 = arith.constant -1 : i32
      %broadcast_in_dim3A_238 = vector.broadcast %jit3A_237 : i32 to vector<16xi32>
      %select_n3A_239 = arith.select %and3A_228, %broadcast_in_dim3A_238, %add3A_236 : vector<16xi1>, vector<16xi32>
      %max3A = arith.maxsi %select_n3A_158, %select_n3A_185 : vector<16xi32>
      %max3A_240 = arith.maxsi %select_n3A_212, %select_n3A_239 : vector<16xi32>
      %max3A_241 = arith.maxsi %max3A, %max3A_240 : vector<16xi32>
      %max3A_242 = arith.maxsi %while3A_134, %max3A_241 : vector<16xi32>
      scf.yield %max3A_242 : vector<16xi32>
    }
    %while3A_83 = arith.constant 1 : i32
    %while3A_84 = scf.for %while3A_133 = %while3A_80 to %while3A_76 step %while3A_83 iter_args(%while3A_134 = %while3A_82) -> (vector<16xi32>)  : i32 {
      %mul3A_135 = arith.constant 4 : i32
      %mul3A_136 = arith.muli %while3A_133, %mul3A_135 : i32
      %mul3A_137 = arith.constant 16 : i32
      %mul3A_138 = arith.muli %mul3A_136, %mul3A_137 : i32
      %add3A_139 = arith.constant 0 : i32
      %add3A_140 = arith.addi %mul3A_138, %add3A_139 : i32
      %multiple_of3A_141 = tpu.assume_multiple %add3A_140, 16 : i32
      %get3A = arith.index_cast %multiple_of3A_141 : i32 to index
      %get3A_142 = tpu.vector_load %arg5[%get3A] {strides = array<i32>} : memref<8192xi32, #tpu.memory_space<vmem>>, vector<16xi32>,
      %ge3A = arith.constant 4 : i32
      %ge3A_143 = vector.broadcast %ge3A : i32 to vector<16xi32>
      %ge3A_144 = arith.cmpi sge, %get3A_142, %ge3A_143 : vector<16xi32>
      %le3A = arith.constant 13 : i32
      %le3A_145 = vector.broadcast %le3A : i32 to vector<16xi32>
      %le3A_146 = arith.cmpi sle, %get3A_142, %le3A_145 : vector<16xi32>
      %and3A_147 = arith.andi %ge3A_144, %le3A_146 : vector<16xi1>
      %mul3A_148 = arith.constant 4 : i32
      %mul3A_149 = arith.muli %while3A_133, %mul3A_148 : i32
      %mul3A_150 = arith.constant 16 : i32
      %mul3A_151 = arith.muli %mul3A_149, %mul3A_150 : i32
      %add3A_152 = arith.constant 0 : i32
      %add3A_153 = arith.addi %mul3A_151, %add3A_152 : i32
      %add3A_154 = vector.broadcast %add3A_153 : i32 to vector<16xi32>
      %add3A_155 = arith.addi %add3A_154, %iota3A : vector<16xi32>
      %jit3A_156 = arith.constant -1 : i32
      %broadcast_in_dim3A_157 = vector.broadcast %jit3A_156 : i32 to vector<16xi32>
      %select_n3A_158 = arith.select %and3A_147, %broadcast_in_dim3A_157, %add3A_155 : vector<16xi1>, vector<16xi32>
      %mul3A_159 = arith.constant 4 : i32
      %mul3A_160 = arith.muli %while3A_133, %mul3A_159 : i32
      %mul3A_161 = arith.constant 16 : i32
      %mul3A_162 = arith.muli %mul3A_160, %mul3A_161 : i32
      %add3A_163 = arith.constant 16 : i32
      %add3A_164 = arith.addi %mul3A_162, %add3A_163 : i32
      %multiple_of3A_165 = tpu.assume_multiple %add3A_164, 16 : i32
      %get3A_166 = arith.index_cast %multiple_of3A_165 : i32 to index
      %get3A_167 = tpu.vector_load %arg5[%get3A_166] {strides = array<i32>} : memref<8192xi32, #tpu.memory_space<vmem>>, vector<16xi32>,
      %ge3A_168 = arith.constant 4 : i32
      %ge3A_169 = vector.broadcast %ge3A_168 : i32 to vector<16xi32>
      %ge3A_170 = arith.cmpi sge, %get3A_167, %ge3A_169 : vector<16xi32>
      %le3A_171 = arith.constant 13 : i32
      %le3A_172 = vector.broadcast %le3A_171 : i32 to vector<16xi32>
      %le3A_173 = arith.cmpi sle, %get3A_167, %le3A_172 : vector<16xi32>
      %and3A_174 = arith.andi %ge3A_170, %le3A_173 : vector<16xi1>
      %mul3A_175 = arith.constant 4 : i32
      %mul3A_176 = arith.muli %while3A_133, %mul3A_175 : i32
      %mul3A_177 = arith.constant 16 : i32
      %mul3A_178 = arith.muli %mul3A_176, %mul3A_177 : i32
      %add3A_179 = arith.constant 16 : i32
      %add3A_180 = arith.addi %mul3A_178, %add3A_179 : i32
      %add3A_181 = vector.broadcast %add3A_180 : i32 to vector<16xi32>
      %add3A_182 = arith.addi %add3A_181, %iota3A : vector<16xi32>
      %jit3A_183 = arith.constant -1 : i32
      %broadcast_in_dim3A_184 = vector.broadcast %jit3A_183 : i32 to vector<16xi32>
      %select_n3A_185 = arith.select %and3A_174, %broadcast_in_dim3A_184, %add3A_182 : vector<16xi1>, vector<16xi32>
      %mul3A_186 = arith.constant 4 : i32
      %mul3A_187 = arith.muli %while3A_133, %mul3A_186 : i32
      %mul3A_188 = arith.constant 16 : i32
      %mul3A_189 = arith.muli %mul3A_187, %mul3A_188 : i32
      %add3A_190 = arith.constant 32 : i32
      %add3A_191 = arith.addi %mul3A_189, %add3A_190 : i32
      %multiple_of3A_192 = tpu.assume_multiple %add3A_191, 16 : i32
      %get3A_193 = arith.index_cast %multiple_of3A_192 : i32 to index
      %get3A_194 = tpu.vector_load %arg5[%get3A_193] {strides = array<i32>} : memref<8192xi32, #tpu.memory_space<vmem>>, vector<16xi32>,
      %ge3A_195 = arith.constant 4 : i32
      %ge3A_196 = vector.broadcast %ge3A_195 : i32 to vector<16xi32>
      %ge3A_197 = arith.cmpi sge, %get3A_194, %ge3A_196 : vector<16xi32>
      %le3A_198 = arith.constant 13 : i32
      %le3A_199 = vector.broadcast %le3A_198 : i32 to vector<16xi32>
      %le3A_200 = arith.cmpi sle, %get3A_194, %le3A_199 : vector<16xi32>
      %and3A_201 = arith.andi %ge3A_197, %le3A_200 : vector<16xi1>
      %mul3A_202 = arith.constant 4 : i32
      %mul3A_203 = arith.muli %while3A_133, %mul3A_202 : i32
      %mul3A_204 = arith.constant 16 : i32
      %mul3A_205 = arith.muli %mul3A_203, %mul3A_204 : i32
      %add3A_206 = arith.constant 32 : i32
      %add3A_207 = arith.addi %mul3A_205, %add3A_206 : i32
      %add3A_208 = vector.broadcast %add3A_207 : i32 to vector<16xi32>
      %add3A_209 = arith.addi %add3A_208, %iota3A : vector<16xi32>
      %jit3A_210 = arith.constant -1 : i32
      %broadcast_in_dim3A_211 = vector.broadcast %jit3A_210 : i32 to vector<16xi32>
      %select_n3A_212 = arith.select %and3A_201, %broadcast_in_dim3A_211, %add3A_209 : vector<16xi1>, vector<16xi32>
      %mul3A_213 = arith.constant 4 : i32
      %mul3A_214 = arith.muli %while3A_133, %mul3A_213 : i32
      %mul3A_215 = arith.constant 16 : i32
      %mul3A_216 = arith.muli %mul3A_214, %mul3A_215 : i32
      %add3A_217 = arith.constant 48 : i32
      %add3A_218 = arith.addi %mul3A_216, %add3A_217 : i32
      %multiple_of3A_219 = tpu.assume_multiple %add3A_218, 16 : i32
      %get3A_220 = arith.index_cast %multiple_of3A_219 : i32 to index
      %get3A_221 = tpu.vector_load %arg5[%get3A_220] {strides = array<i32>} : memref<8192xi32, #tpu.memory_space<vmem>>, vector<16xi32>,
      %ge3A_222 = arith.constant 4 : i32
      %ge3A_223 = vector.broadcast %ge3A_222 : i32 to vector<16xi32>
      %ge3A_224 = arith.cmpi sge, %get3A_221, %ge3A_223 : vector<16xi32>
      %le3A_225 = arith.constant 13 : i32
      %le3A_226 = vector.broadcast %le3A_225 : i32 to vector<16xi32>
      %le3A_227 = arith.cmpi sle, %get3A_221, %le3A_226 : vector<16xi32>
      %and3A_228 = arith.andi %ge3A_224, %le3A_227 : vector<16xi1>
      %mul3A_229 = arith.constant 4 : i32
      %mul3A_230 = arith.muli %while3A_133, %mul3A_229 : i32
      %mul3A_231 = arith.constant 16 : i32
      %mul3A_232 = arith.muli %mul3A_230, %mul3A_231 : i32
      %add3A_233 = arith.constant 48 : i32
      %add3A_234 = arith.addi %mul3A_232, %add3A_233 : i32
      %add3A_235 = vector.broadcast %add3A_234 : i32 to vector<16xi32>
      %add3A_236 = arith.addi %add3A_235, %iota3A : vector<16xi32>
      %jit3A_237 = arith.constant -1 : i32
      %broadcast_in_dim3A_238 = vector.broadcast %jit3A_237 : i32 to vector<16xi32>
      %select_n3A_239 = arith.select %and3A_228, %broadcast_in_dim3A_238, %add3A_236 : vector<16xi1>, vector<16xi32>
      %max3A = arith.maxsi %select_n3A_158, %select_n3A_185 : vector<16xi32>
      %max3A_240 = arith.maxsi %select_n3A_212, %select_n3A_239 : vector<16xi32>
      %max3A_241 = arith.maxsi %max3A, %max3A_240 : vector<16xi32>
      %max3A_242 = arith.maxsi %while3A_134, %max3A_241 : vector<16xi32>
      scf.yield %max3A_242 : vector<16xi32>
    }
    %reduce_max3A = arith.constant true
    %reduce_max3A_85 = vector.broadcast %reduce_max3A : i1 to vector<16xi1>
    %reduce_max3A_86 = arith.constant -2147483648 : i32
    %reduce_max3A_87 = vector.broadcast %reduce_max3A_86 : i32 to vector<16xi32>
    %reduce_max3A_88 = arith.xori %while3A_84, %reduce_max3A_87 : vector<16xi32>
    %reduce_max3A_89 = tpu.scan <max>, %reduce_max3A_88 masked %reduce_max3A_85 : vector<16xi32>, vector<16xi1> -> vector<16xi32>
    %reduce_max3A_90 = arith.xori %reduce_max3A_89, %reduce_max3A_87 : vector<16xi32>
    %reduce_max3A_91 = vector.extract %reduce_max3A_90[15] : i32 from vector<16xi32>
    %scan3A = arith.constant 0 : i32
    %scan3A_92 = arith.constant 64 : i32
    %scan3A_93 = arith.addi %scan3A, %scan3A_92 : i32
    %scan3A_94 = arith.constant 1 : i32
    %scan3A_95 = scf.for %scan3A_133 = %scan3A to %scan3A_93 step %scan3A_94 iter_args(%scan3A_134 = %reduce_max3A_91) -> (i32)  : i32 {
      %mul3A_135 = arith.constant 16 : i32
      %mul3A_136 = arith.muli %scan3A_133, %mul3A_135 : i32
      %add3A_137 = arith.addi %mul3A_32, %mul3A_136 : i32
      %multiple_of3A_138 = tpu.assume_multiple %add3A_137, 16 : i32
      %get3A = arith.index_cast %multiple_of3A_138 : i32 to index
      %get3A_139 = tpu.vector_load %arg5[%get3A] {strides = array<i32>} : memref<8192xi32, #tpu.memory_space<vmem>>, vector<16xi32>,
      %ge3A = arith.constant 4 : i32
      %ge3A_140 = vector.broadcast %ge3A : i32 to vector<16xi32>
      %ge3A_141 = arith.cmpi sge, %get3A_139, %ge3A_140 : vector<16xi32>
      %le3A = arith.constant 13 : i32
      %le3A_142 = vector.broadcast %le3A : i32 to vector<16xi32>
      %le3A_143 = arith.cmpi sle, %get3A_139, %le3A_142 : vector<16xi32>
      %and3A_144 = arith.andi %ge3A_141, %le3A_143 : vector<16xi1>
      %add3A_145 = vector.broadcast %add3A_137 : i32 to vector<16xi32>
      %add3A_146 = arith.addi %add3A_145, %iota3A : vector<16xi32>
      %jit3A_147 = arith.constant -1 : i32
      %broadcast_in_dim3A_148 = vector.broadcast %jit3A_147 : i32 to vector<16xi32>
      %select_n3A_149 = arith.select %and3A_144, %broadcast_in_dim3A_148, %add3A_146 : vector<16xi1>, vector<16xi32>
      %broadcast_in_dim3A_150 = arith.constant true
      %broadcast_in_dim3A_151 = vector.broadcast %broadcast_in_dim3A_150 : i1 to vector<16xi1>
      %masked_cummax3A = arith.constant -2147483648 : i32
      %masked_cummax3A_152 = vector.broadcast %masked_cummax3A : i32 to vector<16xi32>
      %masked_cummax3A_153 = arith.xori %select_n3A_149, %masked_cummax3A_152 : vector<16xi32>
      %masked_cummax3A_154 = tpu.scan <max>, %masked_cummax3A_153 masked %broadcast_in_dim3A_151 : vector<16xi32>, vector<16xi1> -> vector<16xi32>
      %masked_cummax3A_155 = arith.xori %masked_cummax3A_154, %masked_cummax3A_152 : vector<16xi32>
      %max3A = vector.broadcast %scan3A_134 : i32 to vector<16xi32>
      %max3A_156 = arith.maxsi %masked_cummax3A_155, %max3A : vector<16xi32>
      %sub3A_157 = arith.subi %add3A_146, %max3A_156 : vector<16xi32>
      %convert_element_type3A = arith.extui %and3A_144 : vector<16xi1> to vector<16xi32>
      %mul3A_158 = arith.muli %sub3A_157, %convert_element_type3A : vector<16xi32>
      %min3A = arith.constant 1023 : i32
      %min3A_159 = vector.broadcast %min3A : i32 to vector<16xi32>
      %min3A_160 = arith.minsi %mul3A_158, %min3A_159 : vector<16xi32>
      %mul3A_161 = arith.constant 16 : i32
      %mul3A_162 = arith.muli %scan3A_133, %mul3A_161 : i32
      %multiple_of3A_163 = tpu.assume_multiple %mul3A_162, 16 : i32
      %swap3A_164 = arith.index_cast %multiple_of3A_163 : i32 to index
      %swap3A_165 = tpu.vector_load %arg6[%swap3A_164] {strides = array<i32>} : memref<1024xi32, #tpu.memory_space<vmem>>, vector<16xi32>,
      tpu.vector_store %arg6[%swap3A_164], %min3A_160 {strides = array<i32>} : memref<1024xi32, #tpu.memory_space<vmem>>, vector<16xi32>,
      %reduce_max3A_166 = arith.constant true
      %reduce_max3A_167 = vector.broadcast %reduce_max3A_166 : i1 to vector<16xi1>
      %reduce_max3A_168 = arith.constant -2147483648 : i32
      %reduce_max3A_169 = vector.broadcast %reduce_max3A_168 : i32 to vector<16xi32>
      %reduce_max3A_170 = arith.xori %max3A_156, %reduce_max3A_169 : vector<16xi32>
      %reduce_max3A_171 = tpu.scan <max>, %reduce_max3A_170 masked %reduce_max3A_167 : vector<16xi32>, vector<16xi1> -> vector<16xi32>
      %reduce_max3A_172 = arith.xori %reduce_max3A_171, %reduce_max3A_169 : vector<16xi32>
      %reduce_max3A_173 = vector.extract %reduce_max3A_172[15] : i32 from vector<16xi32>
      scf.yield %reduce_max3A_173 : i32
    }
    %scan3A_96 = arith.constant 64 : i32
    %dma_wait3A = arith.constant 0 : i32
    %dma_wait3A_97 = tpu.memref_slice %arg9[%multiple_of3A, %dma_wait3A] : memref<1024x768xf32, #tpu.memory_space<vmem_shared>> -> memref<64x768xf32, #tpu.memory_space<vmem_shared>>
    %dma_wait3A_98 = arith.constant 0 : i32
    %dma_wait3A_99 = tpu.memref_slice %arg3[%multiple_of3A, %dma_wait3A_98] : memref<1024x768xf32, #tpu.memory_space<hbm>> -> memref<64x768xf32, #tpu.memory_space<hbm>>
    tpu.wait_dma2 semaphore(%arg12 : memref<!tpu.dma_semaphore, #tpu.memory_space<semaphore_mem>>) src(%dma_wait3A_99 : memref<64x768xf32, #tpu.memory_space<hbm>>) dst(%dma_wait3A_97 : memref<64x768xf32, #tpu.memory_space<vmem_shared>>)
    %barrier3A = arith.constant 0 : index
    tpu.barrier barrier_id(%barrier3A)
    %mul3A_100 = arith.constant 1024 : i32
    %mul3A_101 = arith.muli %add3A, %mul3A_100 : i32
    %scan3A_102 = arith.constant 0 : i32
    %scan3A_103 = arith.constant 0 : i32
    %scan3A_104 = arith.constant 64 : i32
    %scan3A_105 = arith.addi %scan3A_103, %scan3A_104 : i32
    %scan3A_106 = arith.constant 1 : i32
    %scan3A_107 = scf.for %scan3A_133 = %scan3A_103 to %scan3A_105 step %scan3A_106 iter_args(%scan3A_134 = %scan3A_102) -> (i32)  : i32 {
      %jit3A_135 = arith.constant 4 : i32
      %eq3A_136 = arith.constant 0 : i32
      %eq3A_137 = arith.cmpi eq, %jit3A_135, %eq3A_136 : i32
      %jit3A_138 = arith.constant 1 : i32
      %select_n3A_139 = arith.select %eq3A_137, %jit3A_138, %jit3A_135 : i32
      %rem3A_140 = arith.remsi %scan3A_133, %select_n3A_139 : i32
      %ne3A_141 = arith.constant 0 : i32
      %ne3A_142 = arith.cmpi ne, %rem3A_140, %ne3A_141 : i32
      %lt3A_143 = arith.constant 0 : i32
      %lt3A_144 = arith.cmpi slt, %rem3A_140, %lt3A_143 : i32
      %lt3A_145 = arith.constant 0 : i32
      %lt3A_146 = arith.cmpi slt, %select_n3A_139, %lt3A_145 : i32
      %ne3A_147 = arith.xori %lt3A_144, %lt3A_146 : i1
      %and3A_148 = arith.andi %ne3A_147, %ne3A_142 : i1
      %add3A_149 = arith.addi %rem3A_140, %select_n3A_139 : i32
      %select_n3A_150 = arith.select %and3A_148, %add3A_149, %rem3A_140 : i32
      %mul3A_151 = arith.constant 16 : i32
      %mul3A_152 = arith.muli %select_n3A_150, %mul3A_151 : i32
      %multiple_of3A_153 = tpu.assume_multiple %mul3A_152, 16 : i32
      %jit3A_154 = arith.constant 4 : i32
      %eq3A_155 = arith.constant 0 : i32
      %eq3A_156 = arith.cmpi eq, %jit3A_154, %eq3A_155 : i32
      %jit3A_157 = arith.constant 1 : i32
      %select_n3A_158 = arith.select %eq3A_156, %jit3A_157, %jit3A_154 : i32
      %rem3A_159 = arith.remsi %scan3A_133, %select_n3A_158 : i32
      %ne3A_160 = arith.constant 0 : i32
      %ne3A_161 = arith.cmpi ne, %rem3A_159, %ne3A_160 : i32
      %lt3A_162 = arith.constant 0 : i32
      %lt3A_163 = arith.cmpi slt, %rem3A_159, %lt3A_162 : i32
      %lt3A_164 = arith.constant 0 : i32
      %lt3A_165 = arith.cmpi slt, %select_n3A_158, %lt3A_164 : i32
      %ne3A_166 = arith.xori %lt3A_163, %lt3A_165 : i1
      %and3A_167 = arith.andi %ne3A_166, %ne3A_161 : i1
      %add3A_168 = arith.addi %rem3A_159, %select_n3A_158 : i32
      %select_n3A_169 = arith.select %and3A_167, %add3A_168, %rem3A_159 : i32
      %eq3A_170 = arith.constant 0 : i32
      %eq3A_171 = arith.cmpi eq, %select_n3A_169, %eq3A_170 : i32
      %ge3A = arith.constant 4 : i32
      %ge3A_172 = arith.cmpi sge, %scan3A_133, %ge3A : i32
      %and3A_173 = arith.andi %eq3A_171, %ge3A_172 : i1
      %convert_element_type3A = arith.extui %and3A_173 : i1 to i32
      %cond3A = arith.constant 0 : i32
      %cond3A_174 = arith.cmpi ne, %convert_element_type3A, %cond3A : i32
      scf.if %cond3A_174 {
        %dma_wait3A_318 = arith.constant 0 : i32
        %dma_wait3A_319 = arith.constant 0 : i32
        %dma_wait3A_320 = tpu.memref_slice %arg7[%dma_wait3A_318, %dma_wait3A_319] : memref<64x768xf32, #tpu.memory_space<vmem>> -> memref<32x768xf32, #tpu.memory_space<vmem>>
        %dma_wait3A_321 = arith.constant 0 : i32
        %dma_wait3A_322 = arith.constant 0 : i32
        %dma_wait3A_323 = tpu.memref_slice %arg4[%dma_wait3A_321, %dma_wait3A_322] : memref<32768x768xf32, #tpu.memory_space<hbm>> -> memref<32x768xf32, #tpu.memory_space<hbm>>
        %dma_wait3A_324 = arith.constant 0 : i32
        %dma_wait3A_325 = arith.constant 0 : i32
        %dma_wait3A_326 = tpu.memref_slice %arg7[%dma_wait3A_324, %dma_wait3A_325] : memref<64x768xf32, #tpu.memory_space<vmem>> -> memref<32x768xf32, #tpu.memory_space<vmem>>
        %dma_wait3A_327 = arith.constant 0 : i32
        %dma_wait3A_328 = arith.constant 0 : i32
        %dma_wait3A_329 = tpu.memref_slice %arg4[%dma_wait3A_327, %dma_wait3A_328] : memref<32768x768xf32, #tpu.memory_space<hbm>> -> memref<32x768xf32, #tpu.memory_space<hbm>>
        tpu.wait_dma2 semaphore(%arg10 : memref<!tpu.dma_semaphore, #tpu.memory_space<semaphore_mem>>) src(%dma_wait3A_329 : memref<32x768xf32, #tpu.memory_space<hbm>>) dst(%dma_wait3A_326 : memref<32x768xf32, #tpu.memory_space<vmem>>)
      } else {
      }
      %jit3A_175 = arith.constant 4 : i32
      %eq3A_176 = arith.constant 0 : i32
      %eq3A_177 = arith.cmpi eq, %jit3A_175, %eq3A_176 : i32
      %jit3A_178 = arith.constant 1 : i32
      %select_n3A_179 = arith.select %eq3A_177, %jit3A_178, %jit3A_175 : i32
      %rem3A_180 = arith.remsi %scan3A_133, %select_n3A_179 : i32
      %ne3A_181 = arith.constant 0 : i32
      %ne3A_182 = arith.cmpi ne, %rem3A_180, %ne3A_181 : i32
      %lt3A_183 = arith.constant 0 : i32
      %lt3A_184 = arith.cmpi slt, %rem3A_180, %lt3A_183 : i32
      %lt3A_185 = arith.constant 0 : i32
      %lt3A_186 = arith.cmpi slt, %select_n3A_179, %lt3A_185 : i32
      %ne3A_187 = arith.xori %lt3A_184, %lt3A_186 : i1
      %and3A_188 = arith.andi %ne3A_187, %ne3A_182 : i1
      %add3A_189 = arith.addi %rem3A_180, %select_n3A_179 : i32
      %select_n3A_190 = arith.select %and3A_188, %add3A_189, %rem3A_180 : i32
      %eq3A_191 = arith.constant 2 : i32
      %eq3A_192 = arith.cmpi eq, %select_n3A_190, %eq3A_191 : i32
      %ge3A_193 = arith.constant 4 : i32
      %ge3A_194 = arith.cmpi sge, %scan3A_133, %ge3A_193 : i32
      %and3A_195 = arith.andi %eq3A_192, %ge3A_194 : i1
      %convert_element_type3A_196 = arith.extui %and3A_195 : i1 to i32
      %cond3A_197 = arith.constant 0 : i32
      %cond3A_198 = arith.cmpi ne, %convert_element_type3A_196, %cond3A_197 : i32
      scf.if %cond3A_198 {
        %dma_wait3A_318 = arith.constant 0 : i32
        %dma_wait3A_319 = arith.constant 0 : i32
        %dma_wait3A_320 = tpu.memref_slice %arg7[%dma_wait3A_318, %dma_wait3A_319] : memref<64x768xf32, #tpu.memory_space<vmem>> -> memref<32x768xf32, #tpu.memory_space<vmem>>
        %dma_wait3A_321 = arith.constant 0 : i32
        %dma_wait3A_322 = arith.constant 0 : i32
        %dma_wait3A_323 = tpu.memref_slice %arg4[%dma_wait3A_321, %dma_wait3A_322] : memref<32768x768xf32, #tpu.memory_space<hbm>> -> memref<32x768xf32, #tpu.memory_space<hbm>>
        %dma_wait3A_324 = arith.constant 0 : i32
        %dma_wait3A_325 = arith.constant 0 : i32
        %dma_wait3A_326 = tpu.memref_slice %arg7[%dma_wait3A_324, %dma_wait3A_325] : memref<64x768xf32, #tpu.memory_space<vmem>> -> memref<32x768xf32, #tpu.memory_space<vmem>>
        %dma_wait3A_327 = arith.constant 0 : i32
        %dma_wait3A_328 = arith.constant 0 : i32
        %dma_wait3A_329 = tpu.memref_slice %arg4[%dma_wait3A_327, %dma_wait3A_328] : memref<32768x768xf32, #tpu.memory_space<hbm>> -> memref<32x768xf32, #tpu.memory_space<hbm>>
        tpu.wait_dma2 semaphore(%arg11 : memref<!tpu.dma_semaphore, #tpu.memory_space<semaphore_mem>>) src(%dma_wait3A_329 : memref<32x768xf32, #tpu.memory_space<hbm>>) dst(%dma_wait3A_326 : memref<32x768xf32, #tpu.memory_space<vmem>>)
      } else {
      }
      %mul3A_199 = arith.constant 16 : i32
      %mul3A_200 = arith.muli %scan3A_133, %mul3A_199 : i32
      %multiple_of3A_201 = tpu.assume_multiple %mul3A_200, 16 : i32
      %get3A = arith.index_cast %multiple_of3A_201 : i32 to index
      %get3A_202 = tpu.vector_load %arg6[%get3A] {strides = array<i32>} : memref<1024xi32, #tpu.memory_space<vmem>>, vector<16xi32>,
      %get3A_203 = arith.index_cast %multiple_of3A_153 : i32 to index
      %get3A_204 = tpu.vector_load %arg8[%get3A_203] {strides = array<i32>} : memref<64xi32, #tpu.memory_space<vmem>>, vector<16xi32>,
      %gt3A = arith.constant 0 : i32
      %gt3A_205 = vector.broadcast %gt3A : i32 to vector<16xi32>
      %gt3A_206 = arith.cmpi sgt, %get3A_202, %gt3A_205 : vector<16xi32>
      %gt3A_207 = arith.constant 0 : i32
      %gt3A_208 = vector.broadcast %gt3A_207 : i32 to vector<16xi32>
      %gt3A_209 = arith.cmpi sgt, %get3A_204, %gt3A_208 : vector<16xi32>
      %or3A = arith.ori %gt3A_206, %gt3A_209 : vector<16xi1>
      %convert_element_type3A_210 = arith.extui %or3A : vector<16xi1> to vector<16xi32>
      %reduce_sum3A = arith.constant true
      %reduce_sum3A_211 = vector.broadcast %reduce_sum3A : i1 to vector<16xi1>
      %reduce_sum3A_212 = tpu.scan <sum>, %convert_element_type3A_210 masked %reduce_sum3A_211 : vector<16xi32>, vector<16xi1> -> vector<16xi32>
      %reduce_sum3A_213 = vector.extract %reduce_sum3A_212[15] : i32 from vector<16xi32>
      %gt3A_214 = arith.constant 0 : i32
      %gt3A_215 = arith.cmpi sgt, %reduce_sum3A_213, %gt3A_214 : i32
      %convert_element_type3A_216 = arith.extui %gt3A_215 : i1 to i32
      %cond3A_217 = arith.constant 0 : i32
      %cond3A_218 = arith.cmpi ne, %convert_element_type3A_216, %cond3A_217 : i32
      scf.if %cond3A_218 {
        %mul3A_318 = arith.constant 65536 : i32
        %mul3A_319 = vector.broadcast %mul3A_318 : i32 to vector<16xi32>
        %mul3A_320 = arith.muli %convert_element_type3A_210, %mul3A_319 : vector<16xi32>
        %add3A_321 = arith.addi %get3A_202, %mul3A_320 : vector<16xi32>
        %slice3A = vector.extract_strided_slice %add3A_321 {offsets = [0], sizes = [1], strides = [1]} : vector<16xi32> to vector<1xi32>
        %squeeze3A = vector.extract %slice3A[0] : i32 from vector<1xi32>
        %slice3A_322 = vector.extract_strided_slice %add3A_321 {offsets = [1], sizes = [1], strides = [1]} : vector<16xi32> to vector<1xi32>
        %squeeze3A_323 = vector.extract %slice3A_322[0] : i32 from vector<1xi32>
        %slice3A_324 = vector.extract_strided_slice %add3A_321 {offsets = [2], sizes = [1], strides = [1]} : vector<16xi32> to vector<1xi32>
        %squeeze3A_325 = vector.extract %slice3A_324[0] : i32 from vector<1xi32>
        %slice3A_326 = vector.extract_strided_slice %add3A_321 {offsets = [3], sizes = [1], strides = [1]} : vector<16xi32> to vector<1xi32>
        %squeeze3A_327 = vector.extract %slice3A_326[0] : i32 from vector<1xi32>
        %slice3A_328 = vector.extract_strided_slice %add3A_321 {offsets = [4], sizes = [1], strides = [1]} : vector<16xi32> to vector<1xi32>
        %squeeze3A_329 = vector.extract %slice3A_328[0] : i32 from vector<1xi32>
        %slice3A_330 = vector.extract_strided_slice %add3A_321 {offsets = [5], sizes = [1], strides = [1]} : vector<16xi32> to vector<1xi32>
        %squeeze3A_331 = vector.extract %slice3A_330[0] : i32 from vector<1xi32>
        %slice3A_332 = vector.extract_strided_slice %add3A_321 {offsets = [6], sizes = [1], strides = [1]} : vector<16xi32> to vector<1xi32>
        %squeeze3A_333 = vector.extract %slice3A_332[0] : i32 from vector<1xi32>
        %slice3A_334 = vector.extract_strided_slice %add3A_321 {offsets = [7], sizes = [1], strides = [1]} : vector<16xi32> to vector<1xi32>
        %squeeze3A_335 = vector.extract %slice3A_334[0] : i32 from vector<1xi32>
        %slice3A_336 = vector.extract_strided_slice %add3A_321 {offsets = [8], sizes = [1], strides = [1]} : vector<16xi32> to vector<1xi32>
        %squeeze3A_337 = vector.extract %slice3A_336[0] : i32 from vector<1xi32>
        %slice3A_338 = vector.extract_strided_slice %add3A_321 {offsets = [9], sizes = [1], strides = [1]} : vector<16xi32> to vector<1xi32>
        %squeeze3A_339 = vector.extract %slice3A_338[0] : i32 from vector<1xi32>
        %slice3A_340 = vector.extract_strided_slice %add3A_321 {offsets = [10], sizes = [1], strides = [1]} : vector<16xi32> to vector<1xi32>
        %squeeze3A_341 = vector.extract %slice3A_340[0] : i32 from vector<1xi32>
        %slice3A_342 = vector.extract_strided_slice %add3A_321 {offsets = [11], sizes = [1], strides = [1]} : vector<16xi32> to vector<1xi32>
        %squeeze3A_343 = vector.extract %slice3A_342[0] : i32 from vector<1xi32>
        %slice3A_344 = vector.extract_strided_slice %add3A_321 {offsets = [12], sizes = [1], strides = [1]} : vector<16xi32> to vector<1xi32>
        %squeeze3A_345 = vector.extract %slice3A_344[0] : i32 from vector<1xi32>
        %slice3A_346 = vector.extract_strided_slice %add3A_321 {offsets = [13], sizes = [1], strides = [1]} : vector<16xi32> to vector<1xi32>
        %squeeze3A_347 = vector.extract %slice3A_346[0] : i32 from vector<1xi32>
        %slice3A_348 = vector.extract_strided_slice %add3A_321 {offsets = [14], sizes = [1], strides = [1]} : vector<16xi32> to vector<1xi32>
        %squeeze3A_349 = vector.extract %slice3A_348[0] : i32 from vector<1xi32>
        %slice3A_350 = vector.extract_strided_slice %add3A_321 {offsets = [15], sizes = [1], strides = [1]} : vector<16xi32> to vector<1xi32>
        %squeeze3A_351 = vector.extract %slice3A_350[0] : i32 from vector<1xi32>
        %ge3A_352 = arith.constant 65536 : i32
        %ge3A_353 = arith.cmpi sge, %squeeze3A, %ge3A_352 : i32
        %convert_element_type3A_354 = arith.extui %ge3A_353 : i1 to i32
        %cond3A_355 = arith.constant 0 : i32
        %cond3A_356 = arith.cmpi ne, %convert_element_type3A_354, %cond3A_355 : i32
        scf.if %cond3A_356 {
          %sub3A_432 = arith.constant 65536 : i32
          %sub3A_433 = arith.subi %squeeze3A, %sub3A_432 : i32
          %add3A_434 = arith.constant 0 : i32
          %add3A_435 = arith.addi %multiple_of3A_153, %add3A_434 : i32
          %dma_start3A_436 = arith.constant 0 : i32
          %dma_start3A_437 = tpu.memref_slice %arg7[%add3A_435, %dma_start3A_436] : memref<64x768xf32, #tpu.memory_space<vmem>> -> memref<1x768xf32, #tpu.memory_space<vmem>>
          %dma_start3A_438 = tpu.memref_squeeze %dma_start3A_437 : memref<1x768xf32, #tpu.memory_space<vmem>> -> memref<768xf32, #tpu.memory_space<vmem>>
          %dma_start3A_439 = arith.constant 0 : i32
          %dma_start3A_440 = tpu.memref_slice %arg9[%sub3A_433, %dma_start3A_439] : memref<1024x768xf32, #tpu.memory_space<vmem_shared>> -> memref<1x768xf32, #tpu.memory_space<vmem_shared>>
          %dma_start3A_441 = tpu.memref_squeeze %dma_start3A_440 : memref<1x768xf32, #tpu.memory_space<vmem_shared>> -> memref<768xf32, #tpu.memory_space<vmem_shared>>
          %dma_start3A_442 = arith.constant 0 : i32
          %dma_start3A_443 = tpu.memref_slice %arg7[%add3A_435, %dma_start3A_442] : memref<64x768xf32, #tpu.memory_space<vmem>> -> memref<1x768xf32, #tpu.memory_space<vmem>>
          %dma_start3A_444 = tpu.memref_squeeze %dma_start3A_443 : memref<1x768xf32, #tpu.memory_space<vmem>> -> memref<768xf32, #tpu.memory_space<vmem>>
          %dma_start3A_445 = arith.constant 0 : i32
          %dma_start3A_446 = tpu.memref_slice %arg9[%sub3A_433, %dma_start3A_445] : memref<1024x768xf32, #tpu.memory_space<vmem_shared>> -> memref<1x768xf32, #tpu.memory_space<vmem_shared>>
          %dma_start3A_447 = tpu.memref_squeeze %dma_start3A_446 : memref<1x768xf32, #tpu.memory_space<vmem_shared>> -> memref<768xf32, #tpu.memory_space<vmem_shared>>
          tpu.enqueue_dma source(%dma_start3A_447 : memref<768xf32, #tpu.memory_space<vmem_shared>>) target(%dma_start3A_444 : memref<768xf32, #tpu.memory_space<vmem>>) target_semaphore(%arg12 : memref<!tpu.dma_semaphore, #tpu.memory_space<semaphore_mem>>)
        } else {
        }
        %ge3A_357 = arith.constant 65536 : i32
        %ge3A_358 = arith.cmpi sge, %squeeze3A_323, %ge3A_357 : i32
        %convert_element_type3A_359 = arith.extui %ge3A_358 : i1 to i32
        %cond3A_360 = arith.constant 0 : i32
        %cond3A_361 = arith.cmpi ne, %convert_element_type3A_359, %cond3A_360 : i32
        scf.if %cond3A_361 {
          %sub3A_432 = arith.constant 65536 : i32
          %sub3A_433 = arith.subi %squeeze3A_323, %sub3A_432 : i32
          %add3A_434 = arith.constant 1 : i32
          %add3A_435 = arith.addi %multiple_of3A_153, %add3A_434 : i32
          %dma_start3A_436 = arith.constant 0 : i32
          %dma_start3A_437 = tpu.memref_slice %arg7[%add3A_435, %dma_start3A_436] : memref<64x768xf32, #tpu.memory_space<vmem>> -> memref<1x768xf32, #tpu.memory_space<vmem>>
          %dma_start3A_438 = tpu.memref_squeeze %dma_start3A_437 : memref<1x768xf32, #tpu.memory_space<vmem>> -> memref<768xf32, #tpu.memory_space<vmem>>
          %dma_start3A_439 = arith.constant 0 : i32
          %dma_start3A_440 = tpu.memref_slice %arg9[%sub3A_433, %dma_start3A_439] : memref<1024x768xf32, #tpu.memory_space<vmem_shared>> -> memref<1x768xf32, #tpu.memory_space<vmem_shared>>
          %dma_start3A_441 = tpu.memref_squeeze %dma_start3A_440 : memref<1x768xf32, #tpu.memory_space<vmem_shared>> -> memref<768xf32, #tpu.memory_space<vmem_shared>>
          %dma_start3A_442 = arith.constant 0 : i32
          %dma_start3A_443 = tpu.memref_slice %arg7[%add3A_435, %dma_start3A_442] : memref<64x768xf32, #tpu.memory_space<vmem>> -> memref<1x768xf32, #tpu.memory_space<vmem>>
          %dma_start3A_444 = tpu.memref_squeeze %dma_start3A_443 : memref<1x768xf32, #tpu.memory_space<vmem>> -> memref<768xf32, #tpu.memory_space<vmem>>
          %dma_start3A_445 = arith.constant 0 : i32
          %dma_start3A_446 = tpu.memref_slice %arg9[%sub3A_433, %dma_start3A_445] : memref<1024x768xf32, #tpu.memory_space<vmem_shared>> -> memref<1x768xf32, #tpu.memory_space<vmem_shared>>
          %dma_start3A_447 = tpu.memref_squeeze %dma_start3A_446 : memref<1x768xf32, #tpu.memory_space<vmem_shared>> -> memref<768xf32, #tpu.memory_space<vmem_shared>>
          tpu.enqueue_dma source(%dma_start3A_447 : memref<768xf32, #tpu.memory_space<vmem_shared>>) target(%dma_start3A_444 : memref<768xf32, #tpu.memory_space<vmem>>) target_semaphore(%arg12 : memref<!tpu.dma_semaphore, #tpu.memory_space<semaphore_mem>>)
        } else {
        }
        %ge3A_362 = arith.constant 65536 : i32
        %ge3A_363 = arith.cmpi sge, %squeeze3A_325, %ge3A_362 : i32
        %convert_element_type3A_364 = arith.extui %ge3A_363 : i1 to i32
        %cond3A_365 = arith.constant 0 : i32
        %cond3A_366 = arith.cmpi ne, %convert_element_type3A_364, %cond3A_365 : i32
        scf.if %cond3A_366 {
          %sub3A_432 = arith.constant 65536 : i32
          %sub3A_433 = arith.subi %squeeze3A_325, %sub3A_432 : i32
          %add3A_434 = arith.constant 2 : i32
          %add3A_435 = arith.addi %multiple_of3A_153, %add3A_434 : i32
          %dma_start3A_436 = arith.constant 0 : i32
          %dma_start3A_437 = tpu.memref_slice %arg7[%add3A_435, %dma_start3A_436] : memref<64x768xf32, #tpu.memory_space<vmem>> -> memref<1x768xf32, #tpu.memory_space<vmem>>
          %dma_start3A_438 = tpu.memref_squeeze %dma_start3A_437 : memref<1x768xf32, #tpu.memory_space<vmem>> -> memref<768xf32, #tpu.memory_space<vmem>>
          %dma_start3A_439 = arith.constant 0 : i32
          %dma_start3A_440 = tpu.memref_slice %arg9[%sub3A_433, %dma_start3A_439] : memref<1024x768xf32, #tpu.memory_space<vmem_shared>> -> memref<1x768xf32, #tpu.memory_space<vmem_shared>>
          %dma_start3A_441 = tpu.memref_squeeze %dma_start3A_440 : memref<1x768xf32, #tpu.memory_space<vmem_shared>> -> memref<768xf32, #tpu.memory_space<vmem_shared>>
          %dma_start3A_442 = arith.constant 0 : i32
          %dma_start3A_443 = tpu.memref_slice %arg7[%add3A_435, %dma_start3A_442] : memref<64x768xf32, #tpu.memory_space<vmem>> -> memref<1x768xf32, #tpu.memory_space<vmem>>
          %dma_start3A_444 = tpu.memref_squeeze %dma_start3A_443 : memref<1x768xf32, #tpu.memory_space<vmem>> -> memref<768xf32, #tpu.memory_space<vmem>>
          %dma_start3A_445 = arith.constant 0 : i32
          %dma_start3A_446 = tpu.memref_slice %arg9[%sub3A_433, %dma_start3A_445] : memref<1024x768xf32, #tpu.memory_space<vmem_shared>> -> memref<1x768xf32, #tpu.memory_space<vmem_shared>>
          %dma_start3A_447 = tpu.memref_squeeze %dma_start3A_446 : memref<1x768xf32, #tpu.memory_space<vmem_shared>> -> memref<768xf32, #tpu.memory_space<vmem_shared>>
          tpu.enqueue_dma source(%dma_start3A_447 : memref<768xf32, #tpu.memory_space<vmem_shared>>) target(%dma_start3A_444 : memref<768xf32, #tpu.memory_space<vmem>>) target_semaphore(%arg12 : memref<!tpu.dma_semaphore, #tpu.memory_space<semaphore_mem>>)
        } else {
        }
        %ge3A_367 = arith.constant 65536 : i32
        %ge3A_368 = arith.cmpi sge, %squeeze3A_327, %ge3A_367 : i32
        %convert_element_type3A_369 = arith.extui %ge3A_368 : i1 to i32
        %cond3A_370 = arith.constant 0 : i32
        %cond3A_371 = arith.cmpi ne, %convert_element_type3A_369, %cond3A_370 : i32
        scf.if %cond3A_371 {
          %sub3A_432 = arith.constant 65536 : i32
          %sub3A_433 = arith.subi %squeeze3A_327, %sub3A_432 : i32
          %add3A_434 = arith.constant 3 : i32
          %add3A_435 = arith.addi %multiple_of3A_153, %add3A_434 : i32
          %dma_start3A_436 = arith.constant 0 : i32
          %dma_start3A_437 = tpu.memref_slice %arg7[%add3A_435, %dma_start3A_436] : memref<64x768xf32, #tpu.memory_space<vmem>> -> memref<1x768xf32, #tpu.memory_space<vmem>>
          %dma_start3A_438 = tpu.memref_squeeze %dma_start3A_437 : memref<1x768xf32, #tpu.memory_space<vmem>> -> memref<768xf32, #tpu.memory_space<vmem>>
          %dma_start3A_439 = arith.constant 0 : i32
          %dma_start3A_440 = tpu.memref_slice %arg9[%sub3A_433, %dma_start3A_439] : memref<1024x768xf32, #tpu.memory_space<vmem_shared>> -> memref<1x768xf32, #tpu.memory_space<vmem_shared>>
          %dma_start3A_441 = tpu.memref_squeeze %dma_start3A_440 : memref<1x768xf32, #tpu.memory_space<vmem_shared>> -> memref<768xf32, #tpu.memory_space<vmem_shared>>
          %dma_start3A_442 = arith.constant 0 : i32
          %dma_start3A_443 = tpu.memref_slice %arg7[%add3A_435, %dma_start3A_442] : memref<64x768xf32, #tpu.memory_space<vmem>> -> memref<1x768xf32, #tpu.memory_space<vmem>>
          %dma_start3A_444 = tpu.memref_squeeze %dma_start3A_443 : memref<1x768xf32, #tpu.memory_space<vmem>> -> memref<768xf32, #tpu.memory_space<vmem>>
          %dma_start3A_445 = arith.constant 0 : i32
          %dma_start3A_446 = tpu.memref_slice %arg9[%sub3A_433, %dma_start3A_445] : memref<1024x768xf32, #tpu.memory_space<vmem_shared>> -> memref<1x768xf32, #tpu.memory_space<vmem_shared>>
          %dma_start3A_447 = tpu.memref_squeeze %dma_start3A_446 : memref<1x768xf32, #tpu.memory_space<vmem_shared>> -> memref<768xf32, #tpu.memory_space<vmem_shared>>
          tpu.enqueue_dma source(%dma_start3A_447 : memref<768xf32, #tpu.memory_space<vmem_shared>>) target(%dma_start3A_444 : memref<768xf32, #tpu.memory_space<vmem>>) target_semaphore(%arg12 : memref<!tpu.dma_semaphore, #tpu.memory_space<semaphore_mem>>)
        } else {
        }
        %ge3A_372 = arith.constant 65536 : i32
        %ge3A_373 = arith.cmpi sge, %squeeze3A_329, %ge3A_372 : i32
        %convert_element_type3A_374 = arith.extui %ge3A_373 : i1 to i32
        %cond3A_375 = arith.constant 0 : i32
        %cond3A_376 = arith.cmpi ne, %convert_element_type3A_374, %cond3A_375 : i32
        scf.if %cond3A_376 {
          %sub3A_432 = arith.constant 65536 : i32
          %sub3A_433 = arith.subi %squeeze3A_329, %sub3A_432 : i32
          %add3A_434 = arith.constant 4 : i32
          %add3A_435 = arith.addi %multiple_of3A_153, %add3A_434 : i32
          %dma_start3A_436 = arith.constant 0 : i32
          %dma_start3A_437 = tpu.memref_slice %arg7[%add3A_435, %dma_start3A_436] : memref<64x768xf32, #tpu.memory_space<vmem>> -> memref<1x768xf32, #tpu.memory_space<vmem>>
          %dma_start3A_438 = tpu.memref_squeeze %dma_start3A_437 : memref<1x768xf32, #tpu.memory_space<vmem>> -> memref<768xf32, #tpu.memory_space<vmem>>
          %dma_start3A_439 = arith.constant 0 : i32
          %dma_start3A_440 = tpu.memref_slice %arg9[%sub3A_433, %dma_start3A_439] : memref<1024x768xf32, #tpu.memory_space<vmem_shared>> -> memref<1x768xf32, #tpu.memory_space<vmem_shared>>
          %dma_start3A_441 = tpu.memref_squeeze %dma_start3A_440 : memref<1x768xf32, #tpu.memory_space<vmem_shared>> -> memref<768xf32, #tpu.memory_space<vmem_shared>>
          %dma_start3A_442 = arith.constant 0 : i32
          %dma_start3A_443 = tpu.memref_slice %arg7[%add3A_435, %dma_start3A_442] : memref<64x768xf32, #tpu.memory_space<vmem>> -> memref<1x768xf32, #tpu.memory_space<vmem>>
          %dma_start3A_444 = tpu.memref_squeeze %dma_start3A_443 : memref<1x768xf32, #tpu.memory_space<vmem>> -> memref<768xf32, #tpu.memory_space<vmem>>
          %dma_start3A_445 = arith.constant 0 : i32
          %dma_start3A_446 = tpu.memref_slice %arg9[%sub3A_433, %dma_start3A_445] : memref<1024x768xf32, #tpu.memory_space<vmem_shared>> -> memref<1x768xf32, #tpu.memory_space<vmem_shared>>
          %dma_start3A_447 = tpu.memref_squeeze %dma_start3A_446 : memref<1x768xf32, #tpu.memory_space<vmem_shared>> -> memref<768xf32, #tpu.memory_space<vmem_shared>>
          tpu.enqueue_dma source(%dma_start3A_447 : memref<768xf32, #tpu.memory_space<vmem_shared>>) target(%dma_start3A_444 : memref<768xf32, #tpu.memory_space<vmem>>) target_semaphore(%arg12 : memref<!tpu.dma_semaphore, #tpu.memory_space<semaphore_mem>>)
        } else {
        }
        %ge3A_377 = arith.constant 65536 : i32
        %ge3A_378 = arith.cmpi sge, %squeeze3A_331, %ge3A_377 : i32
        %convert_element_type3A_379 = arith.extui %ge3A_378 : i1 to i32
        %cond3A_380 = arith.constant 0 : i32
        %cond3A_381 = arith.cmpi ne, %convert_element_type3A_379, %cond3A_380 : i32
        scf.if %cond3A_381 {
          %sub3A_432 = arith.constant 65536 : i32
          %sub3A_433 = arith.subi %squeeze3A_331, %sub3A_432 : i32
          %add3A_434 = arith.constant 5 : i32
          %add3A_435 = arith.addi %multiple_of3A_153, %add3A_434 : i32
          %dma_start3A_436 = arith.constant 0 : i32
          %dma_start3A_437 = tpu.memref_slice %arg7[%add3A_435, %dma_start3A_436] : memref<64x768xf32, #tpu.memory_space<vmem>> -> memref<1x768xf32, #tpu.memory_space<vmem>>
          %dma_start3A_438 = tpu.memref_squeeze %dma_start3A_437 : memref<1x768xf32, #tpu.memory_space<vmem>> -> memref<768xf32, #tpu.memory_space<vmem>>
          %dma_start3A_439 = arith.constant 0 : i32
          %dma_start3A_440 = tpu.memref_slice %arg9[%sub3A_433, %dma_start3A_439] : memref<1024x768xf32, #tpu.memory_space<vmem_shared>> -> memref<1x768xf32, #tpu.memory_space<vmem_shared>>
          %dma_start3A_441 = tpu.memref_squeeze %dma_start3A_440 : memref<1x768xf32, #tpu.memory_space<vmem_shared>> -> memref<768xf32, #tpu.memory_space<vmem_shared>>
          %dma_start3A_442 = arith.constant 0 : i32
          %dma_start3A_443 = tpu.memref_slice %arg7[%add3A_435, %dma_start3A_442] : memref<64x768xf32, #tpu.memory_space<vmem>> -> memref<1x768xf32, #tpu.memory_space<vmem>>
          %dma_start3A_444 = tpu.memref_squeeze %dma_start3A_443 : memref<1x768xf32, #tpu.memory_space<vmem>> -> memref<768xf32, #tpu.memory_space<vmem>>
          %dma_start3A_445 = arith.constant 0 : i32
          %dma_start3A_446 = tpu.memref_slice %arg9[%sub3A_433, %dma_start3A_445] : memref<1024x768xf32, #tpu.memory_space<vmem_shared>> -> memref<1x768xf32, #tpu.memory_space<vmem_shared>>
          %dma_start3A_447 = tpu.memref_squeeze %dma_start3A_446 : memref<1x768xf32, #tpu.memory_space<vmem_shared>> -> memref<768xf32, #tpu.memory_space<vmem_shared>>
          tpu.enqueue_dma source(%dma_start3A_447 : memref<768xf32, #tpu.memory_space<vmem_shared>>) target(%dma_start3A_444 : memref<768xf32, #tpu.memory_space<vmem>>) target_semaphore(%arg12 : memref<!tpu.dma_semaphore, #tpu.memory_space<semaphore_mem>>)
        } else {
        }
        %ge3A_382 = arith.constant 65536 : i32
        %ge3A_383 = arith.cmpi sge, %squeeze3A_333, %ge3A_382 : i32
        %convert_element_type3A_384 = arith.extui %ge3A_383 : i1 to i32
        %cond3A_385 = arith.constant 0 : i32
        %cond3A_386 = arith.cmpi ne, %convert_element_type3A_384, %cond3A_385 : i32
        scf.if %cond3A_386 {
          %sub3A_432 = arith.constant 65536 : i32
          %sub3A_433 = arith.subi %squeeze3A_333, %sub3A_432 : i32
          %add3A_434 = arith.constant 6 : i32
          %add3A_435 = arith.addi %multiple_of3A_153, %add3A_434 : i32
          %dma_start3A_436 = arith.constant 0 : i32
          %dma_start3A_437 = tpu.memref_slice %arg7[%add3A_435, %dma_start3A_436] : memref<64x768xf32, #tpu.memory_space<vmem>> -> memref<1x768xf32, #tpu.memory_space<vmem>>
          %dma_start3A_438 = tpu.memref_squeeze %dma_start3A_437 : memref<1x768xf32, #tpu.memory_space<vmem>> -> memref<768xf32, #tpu.memory_space<vmem>>
          %dma_start3A_439 = arith.constant 0 : i32
          %dma_start3A_440 = tpu.memref_slice %arg9[%sub3A_433, %dma_start3A_439] : memref<1024x768xf32, #tpu.memory_space<vmem_shared>> -> memref<1x768xf32, #tpu.memory_space<vmem_shared>>
          %dma_start3A_441 = tpu.memref_squeeze %dma_start3A_440 : memref<1x768xf32, #tpu.memory_space<vmem_shared>> -> memref<768xf32, #tpu.memory_space<vmem_shared>>
          %dma_start3A_442 = arith.constant 0 : i32
          %dma_start3A_443 = tpu.memref_slice %arg7[%add3A_435, %dma_start3A_442] : memref<64x768xf32, #tpu.memory_space<vmem>> -> memref<1x768xf32, #tpu.memory_space<vmem>>
          %dma_start3A_444 = tpu.memref_squeeze %dma_start3A_443 : memref<1x768xf32, #tpu.memory_space<vmem>> -> memref<768xf32, #tpu.memory_space<vmem>>
          %dma_start3A_445 = arith.constant 0 : i32
          %dma_start3A_446 = tpu.memref_slice %arg9[%sub3A_433, %dma_start3A_445] : memref<1024x768xf32, #tpu.memory_space<vmem_shared>> -> memref<1x768xf32, #tpu.memory_space<vmem_shared>>
          %dma_start3A_447 = tpu.memref_squeeze %dma_start3A_446 : memref<1x768xf32, #tpu.memory_space<vmem_shared>> -> memref<768xf32, #tpu.memory_space<vmem_shared>>
          tpu.enqueue_dma source(%dma_start3A_447 : memref<768xf32, #tpu.memory_space<vmem_shared>>) target(%dma_start3A_444 : memref<768xf32, #tpu.memory_space<vmem>>) target_semaphore(%arg12 : memref<!tpu.dma_semaphore, #tpu.memory_space<semaphore_mem>>)
        } else {
        }
        %ge3A_387 = arith.constant 65536 : i32
        %ge3A_388 = arith.cmpi sge, %squeeze3A_335, %ge3A_387 : i32
        %convert_element_type3A_389 = arith.extui %ge3A_388 : i1 to i32
        %cond3A_390 = arith.constant 0 : i32
        %cond3A_391 = arith.cmpi ne, %convert_element_type3A_389, %cond3A_390 : i32
        scf.if %cond3A_391 {
          %sub3A_432 = arith.constant 65536 : i32
          %sub3A_433 = arith.subi %squeeze3A_335, %sub3A_432 : i32
          %add3A_434 = arith.constant 7 : i32
          %add3A_435 = arith.addi %multiple_of3A_153, %add3A_434 : i32
          %dma_start3A_436 = arith.constant 0 : i32
          %dma_start3A_437 = tpu.memref_slice %arg7[%add3A_435, %dma_start3A_436] : memref<64x768xf32, #tpu.memory_space<vmem>> -> memref<1x768xf32, #tpu.memory_space<vmem>>
          %dma_start3A_438 = tpu.memref_squeeze %dma_start3A_437 : memref<1x768xf32, #tpu.memory_space<vmem>> -> memref<768xf32, #tpu.memory_space<vmem>>
          %dma_start3A_439 = arith.constant 0 : i32
          %dma_start3A_440 = tpu.memref_slice %arg9[%sub3A_433, %dma_start3A_439] : memref<1024x768xf32, #tpu.memory_space<vmem_shared>> -> memref<1x768xf32, #tpu.memory_space<vmem_shared>>
          %dma_start3A_441 = tpu.memref_squeeze %dma_start3A_440 : memref<1x768xf32, #tpu.memory_space<vmem_shared>> -> memref<768xf32, #tpu.memory_space<vmem_shared>>
          %dma_start3A_442 = arith.constant 0 : i32
          %dma_start3A_443 = tpu.memref_slice %arg7[%add3A_435, %dma_start3A_442] : memref<64x768xf32, #tpu.memory_space<vmem>> -> memref<1x768xf32, #tpu.memory_space<vmem>>
          %dma_start3A_444 = tpu.memref_squeeze %dma_start3A_443 : memref<1x768xf32, #tpu.memory_space<vmem>> -> memref<768xf32, #tpu.memory_space<vmem>>
          %dma_start3A_445 = arith.constant 0 : i32
          %dma_start3A_446 = tpu.memref_slice %arg9[%sub3A_433, %dma_start3A_445] : memref<1024x768xf32, #tpu.memory_space<vmem_shared>> -> memref<1x768xf32, #tpu.memory_space<vmem_shared>>
          %dma_start3A_447 = tpu.memref_squeeze %dma_start3A_446 : memref<1x768xf32, #tpu.memory_space<vmem_shared>> -> memref<768xf32, #tpu.memory_space<vmem_shared>>
          tpu.enqueue_dma source(%dma_start3A_447 : memref<768xf32, #tpu.memory_space<vmem_shared>>) target(%dma_start3A_444 : memref<768xf32, #tpu.memory_space<vmem>>) target_semaphore(%arg12 : memref<!tpu.dma_semaphore, #tpu.memory_space<semaphore_mem>>)
        } else {
        }
        %ge3A_392 = arith.constant 65536 : i32
        %ge3A_393 = arith.cmpi sge, %squeeze3A_337, %ge3A_392 : i32
        %convert_element_type3A_394 = arith.extui %ge3A_393 : i1 to i32
        %cond3A_395 = arith.constant 0 : i32
        %cond3A_396 = arith.cmpi ne, %convert_element_type3A_394, %cond3A_395 : i32
        scf.if %cond3A_396 {
          %sub3A_432 = arith.constant 65536 : i32
          %sub3A_433 = arith.subi %squeeze3A_337, %sub3A_432 : i32
          %add3A_434 = arith.constant 8 : i32
          %add3A_435 = arith.addi %multiple_of3A_153, %add3A_434 : i32
          %dma_start3A_436 = arith.constant 0 : i32
          %dma_start3A_437 = tpu.memref_slice %arg7[%add3A_435, %dma_start3A_436] : memref<64x768xf32, #tpu.memory_space<vmem>> -> memref<1x768xf32, #tpu.memory_space<vmem>>
          %dma_start3A_438 = tpu.memref_squeeze %dma_start3A_437 : memref<1x768xf32, #tpu.memory_space<vmem>> -> memref<768xf32, #tpu.memory_space<vmem>>
          %dma_start3A_439 = arith.constant 0 : i32
          %dma_start3A_440 = tpu.memref_slice %arg9[%sub3A_433, %dma_start3A_439] : memref<1024x768xf32, #tpu.memory_space<vmem_shared>> -> memref<1x768xf32, #tpu.memory_space<vmem_shared>>
          %dma_start3A_441 = tpu.memref_squeeze %dma_start3A_440 : memref<1x768xf32, #tpu.memory_space<vmem_shared>> -> memref<768xf32, #tpu.memory_space<vmem_shared>>
          %dma_start3A_442 = arith.constant 0 : i32
          %dma_start3A_443 = tpu.memref_slice %arg7[%add3A_435, %dma_start3A_442] : memref<64x768xf32, #tpu.memory_space<vmem>> -> memref<1x768xf32, #tpu.memory_space<vmem>>
          %dma_start3A_444 = tpu.memref_squeeze %dma_start3A_443 : memref<1x768xf32, #tpu.memory_space<vmem>> -> memref<768xf32, #tpu.memory_space<vmem>>
          %dma_start3A_445 = arith.constant 0 : i32
          %dma_start3A_446 = tpu.memref_slice %arg9[%sub3A_433, %dma_start3A_445] : memref<1024x768xf32, #tpu.memory_space<vmem_shared>> -> memref<1x768xf32, #tpu.memory_space<vmem_shared>>
          %dma_start3A_447 = tpu.memref_squeeze %dma_start3A_446 : memref<1x768xf32, #tpu.memory_space<vmem_shared>> -> memref<768xf32, #tpu.memory_space<vmem_shared>>
          tpu.enqueue_dma source(%dma_start3A_447 : memref<768xf32, #tpu.memory_space<vmem_shared>>) target(%dma_start3A_444 : memref<768xf32, #tpu.memory_space<vmem>>) target_semaphore(%arg12 : memref<!tpu.dma_semaphore, #tpu.memory_space<semaphore_mem>>)
        } else {
        }
        %ge3A_397 = arith.constant 65536 : i32
        %ge3A_398 = arith.cmpi sge, %squeeze3A_339, %ge3A_397 : i32
        %convert_element_type3A_399 = arith.extui %ge3A_398 : i1 to i32
        %cond3A_400 = arith.constant 0 : i32
        %cond3A_401 = arith.cmpi ne, %convert_element_type3A_399, %cond3A_400 : i32
        scf.if %cond3A_401 {
          %sub3A_432 = arith.constant 65536 : i32
          %sub3A_433 = arith.subi %squeeze3A_339, %sub3A_432 : i32
          %add3A_434 = arith.constant 9 : i32
          %add3A_435 = arith.addi %multiple_of3A_153, %add3A_434 : i32
          %dma_start3A_436 = arith.constant 0 : i32
          %dma_start3A_437 = tpu.memref_slice %arg7[%add3A_435, %dma_start3A_436] : memref<64x768xf32, #tpu.memory_space<vmem>> -> memref<1x768xf32, #tpu.memory_space<vmem>>
          %dma_start3A_438 = tpu.memref_squeeze %dma_start3A_437 : memref<1x768xf32, #tpu.memory_space<vmem>> -> memref<768xf32, #tpu.memory_space<vmem>>
          %dma_start3A_439 = arith.constant 0 : i32
          %dma_start3A_440 = tpu.memref_slice %arg9[%sub3A_433, %dma_start3A_439] : memref<1024x768xf32, #tpu.memory_space<vmem_shared>> -> memref<1x768xf32, #tpu.memory_space<vmem_shared>>
          %dma_start3A_441 = tpu.memref_squeeze %dma_start3A_440 : memref<1x768xf32, #tpu.memory_space<vmem_shared>> -> memref<768xf32, #tpu.memory_space<vmem_shared>>
          %dma_start3A_442 = arith.constant 0 : i32
          %dma_start3A_443 = tpu.memref_slice %arg7[%add3A_435, %dma_start3A_442] : memref<64x768xf32, #tpu.memory_space<vmem>> -> memref<1x768xf32, #tpu.memory_space<vmem>>
          %dma_start3A_444 = tpu.memref_squeeze %dma_start3A_443 : memref<1x768xf32, #tpu.memory_space<vmem>> -> memref<768xf32, #tpu.memory_space<vmem>>
          %dma_start3A_445 = arith.constant 0 : i32
          %dma_start3A_446 = tpu.memref_slice %arg9[%sub3A_433, %dma_start3A_445] : memref<1024x768xf32, #tpu.memory_space<vmem_shared>> -> memref<1x768xf32, #tpu.memory_space<vmem_shared>>
          %dma_start3A_447 = tpu.memref_squeeze %dma_start3A_446 : memref<1x768xf32, #tpu.memory_space<vmem_shared>> -> memref<768xf32, #tpu.memory_space<vmem_shared>>
          tpu.enqueue_dma source(%dma_start3A_447 : memref<768xf32, #tpu.memory_space<vmem_shared>>) target(%dma_start3A_444 : memref<768xf32, #tpu.memory_space<vmem>>) target_semaphore(%arg12 : memref<!tpu.dma_semaphore, #tpu.memory_space<semaphore_mem>>)
        } else {
        }
        %ge3A_402 = arith.constant 65536 : i32
        %ge3A_403 = arith.cmpi sge, %squeeze3A_341, %ge3A_402 : i32
        %convert_element_type3A_404 = arith.extui %ge3A_403 : i1 to i32
        %cond3A_405 = arith.constant 0 : i32
        %cond3A_406 = arith.cmpi ne, %convert_element_type3A_404, %cond3A_405 : i32
        scf.if %cond3A_406 {
          %sub3A_432 = arith.constant 65536 : i32
          %sub3A_433 = arith.subi %squeeze3A_341, %sub3A_432 : i32
          %add3A_434 = arith.constant 10 : i32
          %add3A_435 = arith.addi %multiple_of3A_153, %add3A_434 : i32
          %dma_start3A_436 = arith.constant 0 : i32
          %dma_start3A_437 = tpu.memref_slice %arg7[%add3A_435, %dma_start3A_436] : memref<64x768xf32, #tpu.memory_space<vmem>> -> memref<1x768xf32, #tpu.memory_space<vmem>>
          %dma_start3A_438 = tpu.memref_squeeze %dma_start3A_437 : memref<1x768xf32, #tpu.memory_space<vmem>> -> memref<768xf32, #tpu.memory_space<vmem>>
          %dma_start3A_439 = arith.constant 0 : i32
          %dma_start3A_440 = tpu.memref_slice %arg9[%sub3A_433, %dma_start3A_439] : memref<1024x768xf32, #tpu.memory_space<vmem_shared>> -> memref<1x768xf32, #tpu.memory_space<vmem_shared>>
          %dma_start3A_441 = tpu.memref_squeeze %dma_start3A_440 : memref<1x768xf32, #tpu.memory_space<vmem_shared>> -> memref<768xf32, #tpu.memory_space<vmem_shared>>
          %dma_start3A_442 = arith.constant 0 : i32
          %dma_start3A_443 = tpu.memref_slice %arg7[%add3A_435, %dma_start3A_442] : memref<64x768xf32, #tpu.memory_space<vmem>> -> memref<1x768xf32, #tpu.memory_space<vmem>>
          %dma_start3A_444 = tpu.memref_squeeze %dma_start3A_443 : memref<1x768xf32, #tpu.memory_space<vmem>> -> memref<768xf32, #tpu.memory_space<vmem>>
          %dma_start3A_445 = arith.constant 0 : i32
          %dma_start3A_446 = tpu.memref_slice %arg9[%sub3A_433, %dma_start3A_445] : memref<1024x768xf32, #tpu.memory_space<vmem_shared>> -> memref<1x768xf32, #tpu.memory_space<vmem_shared>>
          %dma_start3A_447 = tpu.memref_squeeze %dma_start3A_446 : memref<1x768xf32, #tpu.memory_space<vmem_shared>> -> memref<768xf32, #tpu.memory_space<vmem_shared>>
          tpu.enqueue_dma source(%dma_start3A_447 : memref<768xf32, #tpu.memory_space<vmem_shared>>) target(%dma_start3A_444 : memref<768xf32, #tpu.memory_space<vmem>>) target_semaphore(%arg12 : memref<!tpu.dma_semaphore, #tpu.memory_space<semaphore_mem>>)
        } else {
        }
        %ge3A_407 = arith.constant 65536 : i32
        %ge3A_408 = arith.cmpi sge, %squeeze3A_343, %ge3A_407 : i32
        %convert_element_type3A_409 = arith.extui %ge3A_408 : i1 to i32
        %cond3A_410 = arith.constant 0 : i32
        %cond3A_411 = arith.cmpi ne, %convert_element_type3A_409, %cond3A_410 : i32
        scf.if %cond3A_411 {
          %sub3A_432 = arith.constant 65536 : i32
          %sub3A_433 = arith.subi %squeeze3A_343, %sub3A_432 : i32
          %add3A_434 = arith.constant 11 : i32
          %add3A_435 = arith.addi %multiple_of3A_153, %add3A_434 : i32
          %dma_start3A_436 = arith.constant 0 : i32
          %dma_start3A_437 = tpu.memref_slice %arg7[%add3A_435, %dma_start3A_436] : memref<64x768xf32, #tpu.memory_space<vmem>> -> memref<1x768xf32, #tpu.memory_space<vmem>>
          %dma_start3A_438 = tpu.memref_squeeze %dma_start3A_437 : memref<1x768xf32, #tpu.memory_space<vmem>> -> memref<768xf32, #tpu.memory_space<vmem>>
          %dma_start3A_439 = arith.constant 0 : i32
          %dma_start3A_440 = tpu.memref_slice %arg9[%sub3A_433, %dma_start3A_439] : memref<1024x768xf32, #tpu.memory_space<vmem_shared>> -> memref<1x768xf32, #tpu.memory_space<vmem_shared>>
          %dma_start3A_441 = tpu.memref_squeeze %dma_start3A_440 : memref<1x768xf32, #tpu.memory_space<vmem_shared>> -> memref<768xf32, #tpu.memory_space<vmem_shared>>
          %dma_start3A_442 = arith.constant 0 : i32
          %dma_start3A_443 = tpu.memref_slice %arg7[%add3A_435, %dma_start3A_442] : memref<64x768xf32, #tpu.memory_space<vmem>> -> memref<1x768xf32, #tpu.memory_space<vmem>>
          %dma_start3A_444 = tpu.memref_squeeze %dma_start3A_443 : memref<1x768xf32, #tpu.memory_space<vmem>> -> memref<768xf32, #tpu.memory_space<vmem>>
          %dma_start3A_445 = arith.constant 0 : i32
          %dma_start3A_446 = tpu.memref_slice %arg9[%sub3A_433, %dma_start3A_445] : memref<1024x768xf32, #tpu.memory_space<vmem_shared>> -> memref<1x768xf32, #tpu.memory_space<vmem_shared>>
          %dma_start3A_447 = tpu.memref_squeeze %dma_start3A_446 : memref<1x768xf32, #tpu.memory_space<vmem_shared>> -> memref<768xf32, #tpu.memory_space<vmem_shared>>
          tpu.enqueue_dma source(%dma_start3A_447 : memref<768xf32, #tpu.memory_space<vmem_shared>>) target(%dma_start3A_444 : memref<768xf32, #tpu.memory_space<vmem>>) target_semaphore(%arg12 : memref<!tpu.dma_semaphore, #tpu.memory_space<semaphore_mem>>)
        } else {
        }
        %ge3A_412 = arith.constant 65536 : i32
        %ge3A_413 = arith.cmpi sge, %squeeze3A_345, %ge3A_412 : i32
        %convert_element_type3A_414 = arith.extui %ge3A_413 : i1 to i32
        %cond3A_415 = arith.constant 0 : i32
        %cond3A_416 = arith.cmpi ne, %convert_element_type3A_414, %cond3A_415 : i32
        scf.if %cond3A_416 {
          %sub3A_432 = arith.constant 65536 : i32
          %sub3A_433 = arith.subi %squeeze3A_345, %sub3A_432 : i32
          %add3A_434 = arith.constant 12 : i32
          %add3A_435 = arith.addi %multiple_of3A_153, %add3A_434 : i32
          %dma_start3A_436 = arith.constant 0 : i32
          %dma_start3A_437 = tpu.memref_slice %arg7[%add3A_435, %dma_start3A_436] : memref<64x768xf32, #tpu.memory_space<vmem>> -> memref<1x768xf32, #tpu.memory_space<vmem>>
          %dma_start3A_438 = tpu.memref_squeeze %dma_start3A_437 : memref<1x768xf32, #tpu.memory_space<vmem>> -> memref<768xf32, #tpu.memory_space<vmem>>
          %dma_start3A_439 = arith.constant 0 : i32
          %dma_start3A_440 = tpu.memref_slice %arg9[%sub3A_433, %dma_start3A_439] : memref<1024x768xf32, #tpu.memory_space<vmem_shared>> -> memref<1x768xf32, #tpu.memory_space<vmem_shared>>
          %dma_start3A_441 = tpu.memref_squeeze %dma_start3A_440 : memref<1x768xf32, #tpu.memory_space<vmem_shared>> -> memref<768xf32, #tpu.memory_space<vmem_shared>>
          %dma_start3A_442 = arith.constant 0 : i32
          %dma_start3A_443 = tpu.memref_slice %arg7[%add3A_435, %dma_start3A_442] : memref<64x768xf32, #tpu.memory_space<vmem>> -> memref<1x768xf32, #tpu.memory_space<vmem>>
          %dma_start3A_444 = tpu.memref_squeeze %dma_start3A_443 : memref<1x768xf32, #tpu.memory_space<vmem>> -> memref<768xf32, #tpu.memory_space<vmem>>
          %dma_start3A_445 = arith.constant 0 : i32
          %dma_start3A_446 = tpu.memref_slice %arg9[%sub3A_433, %dma_start3A_445] : memref<1024x768xf32, #tpu.memory_space<vmem_shared>> -> memref<1x768xf32, #tpu.memory_space<vmem_shared>>
          %dma_start3A_447 = tpu.memref_squeeze %dma_start3A_446 : memref<1x768xf32, #tpu.memory_space<vmem_shared>> -> memref<768xf32, #tpu.memory_space<vmem_shared>>
          tpu.enqueue_dma source(%dma_start3A_447 : memref<768xf32, #tpu.memory_space<vmem_shared>>) target(%dma_start3A_444 : memref<768xf32, #tpu.memory_space<vmem>>) target_semaphore(%arg12 : memref<!tpu.dma_semaphore, #tpu.memory_space<semaphore_mem>>)
        } else {
        }
        %ge3A_417 = arith.constant 65536 : i32
        %ge3A_418 = arith.cmpi sge, %squeeze3A_347, %ge3A_417 : i32
        %convert_element_type3A_419 = arith.extui %ge3A_418 : i1 to i32
        %cond3A_420 = arith.constant 0 : i32
        %cond3A_421 = arith.cmpi ne, %convert_element_type3A_419, %cond3A_420 : i32
        scf.if %cond3A_421 {
          %sub3A_432 = arith.constant 65536 : i32
          %sub3A_433 = arith.subi %squeeze3A_347, %sub3A_432 : i32
          %add3A_434 = arith.constant 13 : i32
          %add3A_435 = arith.addi %multiple_of3A_153, %add3A_434 : i32
          %dma_start3A_436 = arith.constant 0 : i32
          %dma_start3A_437 = tpu.memref_slice %arg7[%add3A_435, %dma_start3A_436] : memref<64x768xf32, #tpu.memory_space<vmem>> -> memref<1x768xf32, #tpu.memory_space<vmem>>
          %dma_start3A_438 = tpu.memref_squeeze %dma_start3A_437 : memref<1x768xf32, #tpu.memory_space<vmem>> -> memref<768xf32, #tpu.memory_space<vmem>>
          %dma_start3A_439 = arith.constant 0 : i32
          %dma_start3A_440 = tpu.memref_slice %arg9[%sub3A_433, %dma_start3A_439] : memref<1024x768xf32, #tpu.memory_space<vmem_shared>> -> memref<1x768xf32, #tpu.memory_space<vmem_shared>>
          %dma_start3A_441 = tpu.memref_squeeze %dma_start3A_440 : memref<1x768xf32, #tpu.memory_space<vmem_shared>> -> memref<768xf32, #tpu.memory_space<vmem_shared>>
          %dma_start3A_442 = arith.constant 0 : i32
          %dma_start3A_443 = tpu.memref_slice %arg7[%add3A_435, %dma_start3A_442] : memref<64x768xf32, #tpu.memory_space<vmem>> -> memref<1x768xf32, #tpu.memory_space<vmem>>
          %dma_start3A_444 = tpu.memref_squeeze %dma_start3A_443 : memref<1x768xf32, #tpu.memory_space<vmem>> -> memref<768xf32, #tpu.memory_space<vmem>>
          %dma_start3A_445 = arith.constant 0 : i32
          %dma_start3A_446 = tpu.memref_slice %arg9[%sub3A_433, %dma_start3A_445] : memref<1024x768xf32, #tpu.memory_space<vmem_shared>> -> memref<1x768xf32, #tpu.memory_space<vmem_shared>>
          %dma_start3A_447 = tpu.memref_squeeze %dma_start3A_446 : memref<1x768xf32, #tpu.memory_space<vmem_shared>> -> memref<768xf32, #tpu.memory_space<vmem_shared>>
          tpu.enqueue_dma source(%dma_start3A_447 : memref<768xf32, #tpu.memory_space<vmem_shared>>) target(%dma_start3A_444 : memref<768xf32, #tpu.memory_space<vmem>>) target_semaphore(%arg12 : memref<!tpu.dma_semaphore, #tpu.memory_space<semaphore_mem>>)
        } else {
        }
        %ge3A_422 = arith.constant 65536 : i32
        %ge3A_423 = arith.cmpi sge, %squeeze3A_349, %ge3A_422 : i32
        %convert_element_type3A_424 = arith.extui %ge3A_423 : i1 to i32
        %cond3A_425 = arith.constant 0 : i32
        %cond3A_426 = arith.cmpi ne, %convert_element_type3A_424, %cond3A_425 : i32
        scf.if %cond3A_426 {
          %sub3A_432 = arith.constant 65536 : i32
          %sub3A_433 = arith.subi %squeeze3A_349, %sub3A_432 : i32
          %add3A_434 = arith.constant 14 : i32
          %add3A_435 = arith.addi %multiple_of3A_153, %add3A_434 : i32
          %dma_start3A_436 = arith.constant 0 : i32
          %dma_start3A_437 = tpu.memref_slice %arg7[%add3A_435, %dma_start3A_436] : memref<64x768xf32, #tpu.memory_space<vmem>> -> memref<1x768xf32, #tpu.memory_space<vmem>>
          %dma_start3A_438 = tpu.memref_squeeze %dma_start3A_437 : memref<1x768xf32, #tpu.memory_space<vmem>> -> memref<768xf32, #tpu.memory_space<vmem>>
          %dma_start3A_439 = arith.constant 0 : i32
          %dma_start3A_440 = tpu.memref_slice %arg9[%sub3A_433, %dma_start3A_439] : memref<1024x768xf32, #tpu.memory_space<vmem_shared>> -> memref<1x768xf32, #tpu.memory_space<vmem_shared>>
          %dma_start3A_441 = tpu.memref_squeeze %dma_start3A_440 : memref<1x768xf32, #tpu.memory_space<vmem_shared>> -> memref<768xf32, #tpu.memory_space<vmem_shared>>
          %dma_start3A_442 = arith.constant 0 : i32
          %dma_start3A_443 = tpu.memref_slice %arg7[%add3A_435, %dma_start3A_442] : memref<64x768xf32, #tpu.memory_space<vmem>> -> memref<1x768xf32, #tpu.memory_space<vmem>>
          %dma_start3A_444 = tpu.memref_squeeze %dma_start3A_443 : memref<1x768xf32, #tpu.memory_space<vmem>> -> memref<768xf32, #tpu.memory_space<vmem>>
          %dma_start3A_445 = arith.constant 0 : i32
          %dma_start3A_446 = tpu.memref_slice %arg9[%sub3A_433, %dma_start3A_445] : memref<1024x768xf32, #tpu.memory_space<vmem_shared>> -> memref<1x768xf32, #tpu.memory_space<vmem_shared>>
          %dma_start3A_447 = tpu.memref_squeeze %dma_start3A_446 : memref<1x768xf32, #tpu.memory_space<vmem_shared>> -> memref<768xf32, #tpu.memory_space<vmem_shared>>
          tpu.enqueue_dma source(%dma_start3A_447 : memref<768xf32, #tpu.memory_space<vmem_shared>>) target(%dma_start3A_444 : memref<768xf32, #tpu.memory_space<vmem>>) target_semaphore(%arg12 : memref<!tpu.dma_semaphore, #tpu.memory_space<semaphore_mem>>)
        } else {
        }
        %ge3A_427 = arith.constant 65536 : i32
        %ge3A_428 = arith.cmpi sge, %squeeze3A_351, %ge3A_427 : i32
        %convert_element_type3A_429 = arith.extui %ge3A_428 : i1 to i32
        %cond3A_430 = arith.constant 0 : i32
        %cond3A_431 = arith.cmpi ne, %convert_element_type3A_429, %cond3A_430 : i32
        scf.if %cond3A_431 {
          %sub3A_432 = arith.constant 65536 : i32
          %sub3A_433 = arith.subi %squeeze3A_351, %sub3A_432 : i32
          %add3A_434 = arith.constant 15 : i32
          %add3A_435 = arith.addi %multiple_of3A_153, %add3A_434 : i32
          %dma_start3A_436 = arith.constant 0 : i32
          %dma_start3A_437 = tpu.memref_slice %arg7[%add3A_435, %dma_start3A_436] : memref<64x768xf32, #tpu.memory_space<vmem>> -> memref<1x768xf32, #tpu.memory_space<vmem>>
          %dma_start3A_438 = tpu.memref_squeeze %dma_start3A_437 : memref<1x768xf32, #tpu.memory_space<vmem>> -> memref<768xf32, #tpu.memory_space<vmem>>
          %dma_start3A_439 = arith.constant 0 : i32
          %dma_start3A_440 = tpu.memref_slice %arg9[%sub3A_433, %dma_start3A_439] : memref<1024x768xf32, #tpu.memory_space<vmem_shared>> -> memref<1x768xf32, #tpu.memory_space<vmem_shared>>
          %dma_start3A_441 = tpu.memref_squeeze %dma_start3A_440 : memref<1x768xf32, #tpu.memory_space<vmem_shared>> -> memref<768xf32, #tpu.memory_space<vmem_shared>>
          %dma_start3A_442 = arith.constant 0 : i32
          %dma_start3A_443 = tpu.memref_slice %arg7[%add3A_435, %dma_start3A_442] : memref<64x768xf32, #tpu.memory_space<vmem>> -> memref<1x768xf32, #tpu.memory_space<vmem>>
          %dma_start3A_444 = tpu.memref_squeeze %dma_start3A_443 : memref<1x768xf32, #tpu.memory_space<vmem>> -> memref<768xf32, #tpu.memory_space<vmem>>
          %dma_start3A_445 = arith.constant 0 : i32
          %dma_start3A_446 = tpu.memref_slice %arg9[%sub3A_433, %dma_start3A_445] : memref<1024x768xf32, #tpu.memory_space<vmem_shared>> -> memref<1x768xf32, #tpu.memory_space<vmem_shared>>
          %dma_start3A_447 = tpu.memref_squeeze %dma_start3A_446 : memref<1x768xf32, #tpu.memory_space<vmem_shared>> -> memref<768xf32, #tpu.memory_space<vmem_shared>>
          tpu.enqueue_dma source(%dma_start3A_447 : memref<768xf32, #tpu.memory_space<vmem_shared>>) target(%dma_start3A_444 : memref<768xf32, #tpu.memory_space<vmem>>) target_semaphore(%arg12 : memref<!tpu.dma_semaphore, #tpu.memory_space<semaphore_mem>>)
        } else {
        }
      } else {
      }
      %gt3A_219 = arith.constant 0 : i32
      %gt3A_220 = vector.broadcast %gt3A_219 : i32 to vector<16xi32>
      %gt3A_221 = arith.cmpi sgt, %get3A_202, %gt3A_220 : vector<16xi32>
      %convert_element_type3A_222 = arith.extui %gt3A_221 : vector<16xi1> to vector<16xi32>
      %swap3A_223 = arith.index_cast %multiple_of3A_153 : i32 to index
      %swap3A_224 = tpu.vector_load %arg8[%swap3A_223] {strides = array<i32>} : memref<64xi32, #tpu.memory_space<vmem>>, vector<16xi32>,
      tpu.vector_store %arg8[%swap3A_223], %convert_element_type3A_222 {strides = array<i32>} : memref<64xi32, #tpu.memory_space<vmem>>, vector<16xi32>,
      %add3A_225 = arith.addi %scan3A_134, %reduce_sum3A_213 : i32
      %jit3A_226 = arith.constant 2 : i32
      %eq3A_227 = arith.constant 0 : i32
      %eq3A_228 = arith.cmpi eq, %jit3A_226, %eq3A_227 : i32
      %jit3A_229 = arith.constant 1 : i32
      %select_n3A_230 = arith.select %eq3A_228, %jit3A_229, %jit3A_226 : i32
      %rem3A_231 = arith.remsi %scan3A_133, %select_n3A_230 : i32
      %ne3A_232 = arith.constant 0 : i32
      %ne3A_233 = arith.cmpi ne, %rem3A_231, %ne3A_232 : i32
      %lt3A_234 = arith.constant 0 : i32
      %lt3A_235 = arith.cmpi slt, %rem3A_231, %lt3A_234 : i32
      %lt3A_236 = arith.constant 0 : i32
      %lt3A_237 = arith.cmpi slt, %select_n3A_230, %lt3A_236 : i32
      %ne3A_238 = arith.xori %lt3A_235, %lt3A_237 : i1
      %and3A_239 = arith.andi %ne3A_238, %ne3A_233 : i1
      %add3A_240 = arith.addi %rem3A_231, %select_n3A_230 : i32
      %select_n3A_241 = arith.select %and3A_239, %add3A_240, %rem3A_231 : i32
      %eq3A_242 = arith.constant 1 : i32
      %eq3A_243 = arith.cmpi eq, %select_n3A_241, %eq3A_242 : i32
      %jit3A_244 = arith.constant 0 : i32
      %select_n3A_245 = arith.select %eq3A_243, %add3A_225, %jit3A_244 : i32
      %while3A_246 = arith.constant 0 : i32
      %while3A_247 = arith.constant 0 : i32
      %while3A_248 = arith.subi %select_n3A_245, %while3A_247 : i32
      %while3A_249 = arith.addi %while3A_247, %while3A_248 : i32
      %while3A_250 = arith.constant 1 : i32
      %while3A_251 = arith.divsi %while3A_248, %while3A_250 : i32
      %while3A_252 = arith.muli %while3A_251, %while3A_250 : i32
      %while3A_253 = arith.addi %while3A_247, %while3A_252 : i32
      %while3A_254 = arith.constant 1 : i32
      scf.for %while3A_318 = %while3A_247 to %while3A_253 step %while3A_254  : i32 {
        %dma_wait3A_319 = arith.constant 0 : i32
        %dma_wait3A_320 = arith.constant 0 : i32
        %dma_wait3A_321 = arith.constant 0 : i32
        %dma_wait3A_322 = tpu.memref_slice %arg7[%dma_wait3A_320, %dma_wait3A_321] : memref<64x768xf32, #tpu.memory_space<vmem>> -> memref<1x768xf32, #tpu.memory_space<vmem>>
        %dma_wait3A_323 = tpu.memref_squeeze %dma_wait3A_322 : memref<1x768xf32, #tpu.memory_space<vmem>> -> memref<768xf32, #tpu.memory_space<vmem>>
        %dma_wait3A_324 = arith.constant 0 : i32
        %dma_wait3A_325 = tpu.memref_slice %arg3[%dma_wait3A_319, %dma_wait3A_324] : memref<1024x768xf32, #tpu.memory_space<hbm>> -> memref<1x768xf32, #tpu.memory_space<hbm>>
        %dma_wait3A_326 = tpu.memref_squeeze %dma_wait3A_325 : memref<1x768xf32, #tpu.memory_space<hbm>> -> memref<768xf32, #tpu.memory_space<hbm>>
        %dma_wait3A_327 = arith.constant 0 : i32
        %dma_wait3A_328 = tpu.memref_slice %arg7[%dma_wait3A_320, %dma_wait3A_327] : memref<64x768xf32, #tpu.memory_space<vmem>> -> memref<1x768xf32, #tpu.memory_space<vmem>>
        %dma_wait3A_329 = tpu.memref_squeeze %dma_wait3A_328 : memref<1x768xf32, #tpu.memory_space<vmem>> -> memref<768xf32, #tpu.memory_space<vmem>>
        %dma_wait3A_330 = arith.constant 0 : i32
        %dma_wait3A_331 = tpu.memref_slice %arg3[%dma_wait3A_319, %dma_wait3A_330] : memref<1024x768xf32, #tpu.memory_space<hbm>> -> memref<1x768xf32, #tpu.memory_space<hbm>>
        %dma_wait3A_332 = tpu.memref_squeeze %dma_wait3A_331 : memref<1x768xf32, #tpu.memory_space<hbm>> -> memref<768xf32, #tpu.memory_space<hbm>>
        tpu.wait_dma2 semaphore(%arg12 : memref<!tpu.dma_semaphore, #tpu.memory_space<semaphore_mem>>) src(%dma_wait3A_332 : memref<768xf32, #tpu.memory_space<hbm>>) dst(%dma_wait3A_329 : memref<768xf32, #tpu.memory_space<vmem>>)
      }
      %while3A_255 = arith.constant 1 : i32
      scf.for %while3A_318 = %while3A_253 to %while3A_249 step %while3A_255  : i32 {
        %dma_wait3A_319 = arith.constant 0 : i32
        %dma_wait3A_320 = arith.constant 0 : i32
        %dma_wait3A_321 = arith.constant 0 : i32
        %dma_wait3A_322 = tpu.memref_slice %arg7[%dma_wait3A_320, %dma_wait3A_321] : memref<64x768xf32, #tpu.memory_space<vmem>> -> memref<1x768xf32, #tpu.memory_space<vmem>>
        %dma_wait3A_323 = tpu.memref_squeeze %dma_wait3A_322 : memref<1x768xf32, #tpu.memory_space<vmem>> -> memref<768xf32, #tpu.memory_space<vmem>>
        %dma_wait3A_324 = arith.constant 0 : i32
        %dma_wait3A_325 = tpu.memref_slice %arg3[%dma_wait3A_319, %dma_wait3A_324] : memref<1024x768xf32, #tpu.memory_space<hbm>> -> memref<1x768xf32, #tpu.memory_space<hbm>>
        %dma_wait3A_326 = tpu.memref_squeeze %dma_wait3A_325 : memref<1x768xf32, #tpu.memory_space<hbm>> -> memref<768xf32, #tpu.memory_space<hbm>>
        %dma_wait3A_327 = arith.constant 0 : i32
        %dma_wait3A_328 = tpu.memref_slice %arg7[%dma_wait3A_320, %dma_wait3A_327] : memref<64x768xf32, #tpu.memory_space<vmem>> -> memref<1x768xf32, #tpu.memory_space<vmem>>
        %dma_wait3A_329 = tpu.memref_squeeze %dma_wait3A_328 : memref<1x768xf32, #tpu.memory_space<vmem>> -> memref<768xf32, #tpu.memory_space<vmem>>
        %dma_wait3A_330 = arith.constant 0 : i32
        %dma_wait3A_331 = tpu.memref_slice %arg3[%dma_wait3A_319, %dma_wait3A_330] : memref<1024x768xf32, #tpu.memory_space<hbm>> -> memref<1x768xf32, #tpu.memory_space<hbm>>
        %dma_wait3A_332 = tpu.memref_squeeze %dma_wait3A_331 : memref<1x768xf32, #tpu.memory_space<hbm>> -> memref<768xf32, #tpu.memory_space<hbm>>
        tpu.wait_dma2 semaphore(%arg12 : memref<!tpu.dma_semaphore, #tpu.memory_space<semaphore_mem>>) src(%dma_wait3A_332 : memref<768xf32, #tpu.memory_space<hbm>>) dst(%dma_wait3A_329 : memref<768xf32, #tpu.memory_space<vmem>>)
      }
      %jit3A_256 = arith.constant 4 : i32
      %eq3A_257 = arith.constant 0 : i32
      %eq3A_258 = arith.cmpi eq, %jit3A_256, %eq3A_257 : i32
      %jit3A_259 = arith.constant 1 : i32
      %select_n3A_260 = arith.select %eq3A_258, %jit3A_259, %jit3A_256 : i32
      %rem3A_261 = arith.remsi %scan3A_133, %select_n3A_260 : i32
      %ne3A_262 = arith.constant 0 : i32
      %ne3A_263 = arith.cmpi ne, %rem3A_261, %ne3A_262 : i32
      %lt3A_264 = arith.constant 0 : i32
      %lt3A_265 = arith.cmpi slt, %rem3A_261, %lt3A_264 : i32
      %lt3A_266 = arith.constant 0 : i32
      %lt3A_267 = arith.cmpi slt, %select_n3A_260, %lt3A_266 : i32
      %ne3A_268 = arith.xori %lt3A_265, %lt3A_267 : i1
      %and3A_269 = arith.andi %ne3A_268, %ne3A_263 : i1
      %add3A_270 = arith.addi %rem3A_261, %select_n3A_260 : i32
      %select_n3A_271 = arith.select %and3A_269, %add3A_270, %rem3A_261 : i32
      %eq3A_272 = arith.constant 1 : i32
      %eq3A_273 = arith.cmpi eq, %select_n3A_271, %eq3A_272 : i32
      %convert_element_type3A_274 = arith.extui %eq3A_273 : i1 to i32
      %cond3A_275 = arith.constant 0 : i32
      %cond3A_276 = arith.cmpi ne, %convert_element_type3A_274, %cond3A_275 : i32
      scf.if %cond3A_276 {
        %sub3A_318 = arith.constant 1 : i32
        %sub3A_319 = arith.subi %scan3A_133, %sub3A_318 : i32
        %mul3A_320 = arith.constant 16 : i32
        %mul3A_321 = arith.muli %sub3A_319, %mul3A_320 : i32
        %add3A_322 = arith.addi %mul3A_101, %mul3A_321 : i32
        %multiple_of3A_323 = tpu.assume_multiple %add3A_322, 32 : i32
        %dma_start3A_324 = arith.constant 0 : i32
        %dma_start3A_325 = arith.constant 0 : i32
        %dma_start3A_326 = tpu.memref_slice %arg7[%dma_start3A_324, %dma_start3A_325] : memref<64x768xf32, #tpu.memory_space<vmem>> -> memref<32x768xf32, #tpu.memory_space<vmem>>
        %dma_start3A_327 = arith.constant 0 : i32
        %dma_start3A_328 = tpu.memref_slice %arg4[%multiple_of3A_323, %dma_start3A_327] : memref<32768x768xf32, #tpu.memory_space<hbm>> -> memref<32x768xf32, #tpu.memory_space<hbm>>
        %dma_start3A_329 = arith.constant 0 : i32
        %dma_start3A_330 = tpu.memref_slice %arg4[%multiple_of3A_323, %dma_start3A_329] : memref<32768x768xf32, #tpu.memory_space<hbm>> -> memref<32x768xf32, #tpu.memory_space<hbm>>
        %dma_start3A_331 = arith.constant 0 : i32
        %dma_start3A_332 = arith.constant 0 : i32
        %dma_start3A_333 = tpu.memref_slice %arg7[%dma_start3A_331, %dma_start3A_332] : memref<64x768xf32, #tpu.memory_space<vmem>> -> memref<32x768xf32, #tpu.memory_space<vmem>>
        tpu.enqueue_dma source(%dma_start3A_333 : memref<32x768xf32, #tpu.memory_space<vmem>>) target(%dma_start3A_330 : memref<32x768xf32, #tpu.memory_space<hbm>>) target_semaphore(%arg10 : memref<!tpu.dma_semaphore, #tpu.memory_space<semaphore_mem>>)
      } else {
      }
      %jit3A_277 = arith.constant 4 : i32
      %eq3A_278 = arith.constant 0 : i32
      %eq3A_279 = arith.cmpi eq, %jit3A_277, %eq3A_278 : i32
      %jit3A_280 = arith.constant 1 : i32
      %select_n3A_281 = arith.select %eq3A_279, %jit3A_280, %jit3A_277 : i32
      %rem3A_282 = arith.remsi %scan3A_133, %select_n3A_281 : i32
      %ne3A_283 = arith.constant 0 : i32
      %ne3A_284 = arith.cmpi ne, %rem3A_282, %ne3A_283 : i32
      %lt3A_285 = arith.constant 0 : i32
      %lt3A_286 = arith.cmpi slt, %rem3A_282, %lt3A_285 : i32
      %lt3A_287 = arith.constant 0 : i32
      %lt3A_288 = arith.cmpi slt, %select_n3A_281, %lt3A_287 : i32
      %ne3A_289 = arith.xori %lt3A_286, %lt3A_288 : i1
      %and3A_290 = arith.andi %ne3A_289, %ne3A_284 : i1
      %add3A_291 = arith.addi %rem3A_282, %select_n3A_281 : i32
      %select_n3A_292 = arith.select %and3A_290, %add3A_291, %rem3A_282 : i32
      %eq3A_293 = arith.constant 3 : i32
      %eq3A_294 = arith.cmpi eq, %select_n3A_292, %eq3A_293 : i32
      %convert_element_type3A_295 = arith.extui %eq3A_294 : i1 to i32
      %cond3A_296 = arith.constant 0 : i32
      %cond3A_297 = arith.cmpi ne, %convert_element_type3A_295, %cond3A_296 : i32
      scf.if %cond3A_297 {
        %sub3A_318 = arith.constant 1 : i32
        %sub3A_319 = arith.subi %scan3A_133, %sub3A_318 : i32
        %mul3A_320 = arith.constant 16 : i32
        %mul3A_321 = arith.muli %sub3A_319, %mul3A_320 : i32
        %add3A_322 = arith.addi %mul3A_101, %mul3A_321 : i32
        %multiple_of3A_323 = tpu.assume_multiple %add3A_322, 32 : i32
        %dma_start3A_324 = arith.constant 32 : i32
        %dma_start3A_325 = arith.constant 0 : i32
        %dma_start3A_326 = tpu.memref_slice %arg7[%dma_start3A_324, %dma_start3A_325] : memref<64x768xf32, #tpu.memory_space<vmem>> -> memref<32x768xf32, #tpu.memory_space<vmem>>
        %dma_start3A_327 = arith.constant 0 : i32
        %dma_start3A_328 = tpu.memref_slice %arg4[%multiple_of3A_323, %dma_start3A_327] : memref<32768x768xf32, #tpu.memory_space<hbm>> -> memref<32x768xf32, #tpu.memory_space<hbm>>
        %dma_start3A_329 = arith.constant 0 : i32
        %dma_start3A_330 = tpu.memref_slice %arg4[%multiple_of3A_323, %dma_start3A_329] : memref<32768x768xf32, #tpu.memory_space<hbm>> -> memref<32x768xf32, #tpu.memory_space<hbm>>
        %dma_start3A_331 = arith.constant 32 : i32
        %dma_start3A_332 = arith.constant 0 : i32
        %dma_start3A_333 = tpu.memref_slice %arg7[%dma_start3A_331, %dma_start3A_332] : memref<64x768xf32, #tpu.memory_space<vmem>> -> memref<32x768xf32, #tpu.memory_space<vmem>>
        tpu.enqueue_dma source(%dma_start3A_333 : memref<32x768xf32, #tpu.memory_space<vmem>>) target(%dma_start3A_330 : memref<32x768xf32, #tpu.memory_space<hbm>>) target_semaphore(%arg11 : memref<!tpu.dma_semaphore, #tpu.memory_space<semaphore_mem>>)
      } else {
      }
      %jit3A_298 = arith.constant 2 : i32
      %eq3A_299 = arith.constant 0 : i32
      %eq3A_300 = arith.cmpi eq, %jit3A_298, %eq3A_299 : i32
      %jit3A_301 = arith.constant 1 : i32
      %select_n3A_302 = arith.select %eq3A_300, %jit3A_301, %jit3A_298 : i32
      %rem3A_303 = arith.remsi %scan3A_133, %select_n3A_302 : i32
      %ne3A_304 = arith.constant 0 : i32
      %ne3A_305 = arith.cmpi ne, %rem3A_303, %ne3A_304 : i32
      %lt3A_306 = arith.constant 0 : i32
      %lt3A_307 = arith.cmpi slt, %rem3A_303, %lt3A_306 : i32
      %lt3A_308 = arith.constant 0 : i32
      %lt3A_309 = arith.cmpi slt, %select_n3A_302, %lt3A_308 : i32
      %ne3A_310 = arith.xori %lt3A_307, %lt3A_309 : i1
      %and3A_311 = arith.andi %ne3A_310, %ne3A_305 : i1
      %add3A_312 = arith.addi %rem3A_303, %select_n3A_302 : i32
      %select_n3A_313 = arith.select %and3A_311, %add3A_312, %rem3A_303 : i32
      %eq3A_314 = arith.constant 1 : i32
      %eq3A_315 = arith.cmpi eq, %select_n3A_313, %eq3A_314 : i32
      %jit3A_316 = arith.constant 0 : i32
      %select_n3A_317 = arith.select %eq3A_315, %jit3A_316, %add3A_225 : i32
      scf.yield %select_n3A_317 : i32
    }
    %scan3A_108 = arith.constant 64 : i32
    %dma_wait3A_109 = arith.constant 0 : i32
    %dma_wait3A_110 = arith.constant 0 : i32
    %dma_wait3A_111 = tpu.memref_slice %arg7[%dma_wait3A_109, %dma_wait3A_110] : memref<64x768xf32, #tpu.memory_space<vmem>> -> memref<32x768xf32, #tpu.memory_space<vmem>>
    %dma_wait3A_112 = arith.constant 0 : i32
    %dma_wait3A_113 = arith.constant 0 : i32
    %dma_wait3A_114 = tpu.memref_slice %arg4[%dma_wait3A_112, %dma_wait3A_113] : memref<32768x768xf32, #tpu.memory_space<hbm>> -> memref<32x768xf32, #tpu.memory_space<hbm>>
    %dma_wait3A_115 = arith.constant 0 : i32
    %dma_wait3A_116 = arith.constant 0 : i32
    %dma_wait3A_117 = tpu.memref_slice %arg7[%dma_wait3A_115, %dma_wait3A_116] : memref<64x768xf32, #tpu.memory_space<vmem>> -> memref<32x768xf32, #tpu.memory_space<vmem>>
    %dma_wait3A_118 = arith.constant 0 : i32
    %dma_wait3A_119 = arith.constant 0 : i32
    %dma_wait3A_120 = tpu.memref_slice %arg4[%dma_wait3A_118, %dma_wait3A_119] : memref<32768x768xf32, #tpu.memory_space<hbm>> -> memref<32x768xf32, #tpu.memory_space<hbm>>
    tpu.wait_dma2 semaphore(%arg10 : memref<!tpu.dma_semaphore, #tpu.memory_space<semaphore_mem>>) src(%dma_wait3A_120 : memref<32x768xf32, #tpu.memory_space<hbm>>) dst(%dma_wait3A_117 : memref<32x768xf32, #tpu.memory_space<vmem>>)
    %dma_wait3A_121 = arith.constant 0 : i32
    %dma_wait3A_122 = arith.constant 0 : i32
    %dma_wait3A_123 = tpu.memref_slice %arg7[%dma_wait3A_121, %dma_wait3A_122] : memref<64x768xf32, #tpu.memory_space<vmem>> -> memref<32x768xf32, #tpu.memory_space<vmem>>
    %dma_wait3A_124 = arith.constant 0 : i32
    %dma_wait3A_125 = arith.constant 0 : i32
    %dma_wait3A_126 = tpu.memref_slice %arg4[%dma_wait3A_124, %dma_wait3A_125] : memref<32768x768xf32, #tpu.memory_space<hbm>> -> memref<32x768xf32, #tpu.memory_space<hbm>>
    %dma_wait3A_127 = arith.constant 0 : i32
    %dma_wait3A_128 = arith.constant 0 : i32
    %dma_wait3A_129 = tpu.memref_slice %arg7[%dma_wait3A_127, %dma_wait3A_128] : memref<64x768xf32, #tpu.memory_space<vmem>> -> memref<32x768xf32, #tpu.memory_space<vmem>>
    %dma_wait3A_130 = arith.constant 0 : i32
    %dma_wait3A_131 = arith.constant 0 : i32
    %dma_wait3A_132 = tpu.memref_slice %arg4[%dma_wait3A_130, %dma_wait3A_131] : memref<32768x768xf32, #tpu.memory_space<hbm>> -> memref<32x768xf32, #tpu.memory_space<hbm>>
    tpu.wait_dma2 semaphore(%arg11 : memref<!tpu.dma_semaphore, #tpu.memory_space<semaphore_mem>>) src(%dma_wait3A_132 : memref<32x768xf32, #tpu.memory_space<hbm>>) dst(%dma_wait3A_129 : memref<32x768xf32, #tpu.memory_space<vmem>>)
    return
  }
}

</mosaic_0001>

<sc_bundles>
// kernel: kernel.3.cloned.1.call-start
scs
__scs_entry_jumppad:
0x0: {  	(pc) =	sbr.rel $0x88, $3  }
0x1: {  	(tag) =	ssettag $0x0;
	lr =	simm.s32 $0x1  }
0x2: {  	[smem:$0x3F9F] =	sst lr;
	_ =	strace $0xD0000000  }
0x3: {  	_ = 	snop  }
0x4: {  	_ = 	snop  }
0x5: {  	_ = 	snop  }
0x6: {  	_ = 	snop  }
0x7: {  	_ = 	snop  }
__scs_overlays_trampoline_lowered:
0x8: {  	[smem:$0x3FAE] =	sst s0  }
0x9: {  	[smem:$0x3FAF] =	sst s1  }
0xa: {  	[smem:$0x3FB0] =	sst s2  }
0xb: {  	[smem:$0x3FB1] =	sst s3  }
0xc: {  	[smem:$0x3FB2] =	sst s4  }
0xd: {  	[smem:$0x3FB3] =	sst s5  }
0xe: {  	[smem:$0x3FB4] =	sst s6  }
0xf: {  	[smem:$0x3FB5] =	sst s7  }
0x10: {  	[smem:$0x3FB6] =	sst s8  }
0x11: {  	[smem:$0x3FB7] =	sst s9;
	s0 =	simm.s32 @!p0 $0x0  }
0x12: {  	s1 =	sld [smem:$0x3F9D];
	s0 =	simm.s32 @p0 $0x1  }
0x13: {  	[smem:$0x3FB8] =	sst s0;
	s0 =	simm.s32 @!p1 $0x0  }
0x14: {  	s2 =	sld [smem:$0x3F9C];
	s0 =	simm.s32 @p1 $0x1  }
0x15: {  	[smem:$0x3FB9] =	sst s0;
	s0 =	simm.s32 @!p2 $0x0  }
0x16: {  	s3 =	sld [smem:$0x3FDB];
	s0 =	simm.s32 @p2 $0x1  }
0x17: {  	s4 =	simm.s32 $0x1BF5;
	[smem:$0x3FBB] =	sst s0  }
0x18: {  	s0 =	sld [smem:$0x3F9E];
	_ =	swait.ge [sflag:s4], $0x0  }
0x19: {  	s7 =	sld [smem:$0x3F9F]  }
0x1a: {  	s8 =	sadd.s32 $0xFFFFE003, lr  }
0x1b: {  	s9 =	sadd.s32 $0xFFFFFEF7, lr;
	s5 =	simm.s32 $0xFFFFFFFF;
	p2 =	slt.u32 s8, $0xFFFFF086  }
0x1c: {  	p1 =	slt.u32 s9, $0xF7A;
	s5 =	simm.s32 @!p2 $0x0  }
0x1d: {  	s5 =	simm.s32 @p1 $0x1;
	p0 =	seq.s32 s7, s2  }
0x1e: {  	s7 =	smul.u32 @!p0 $0xF7A, s2;
	p2 =	seq.s32 @!p0 s5, $0x0  }
0x1f: {  	s9 =	smul.u32 $0xF7A, s1;
	s8 =	simm.s32 @!p0 $0x1BF5;
	p2 =	por !p2, p0  }
0x20: {  	[sflag:s8] =	ssyncset.s32 @!p0 $0xFFFFF086;
	s6 =	sadd.s32 @!p0 s3, s7;
	s7 =	simm.s32 @!p0 $0x108  }
0x21: {  	s3 =	sadd.s32 s3, s9;
	s6 =	sadd.s32 @!p0 $0x88, s6;
	s7 =	simm.s32 @p2 $0x1082  }
0x22: {  	[simem:s7], [sflag:s8] =	dma.local @!p0 [hbm:s6], $0xF7A  }
0x23: {  	s9 =	sor.u32 $0xD0000000, s2;
	s6 =	simm.s32 $0x108;
	_ =	swait.ge @!p0 [sflag:s8], $0x0  }
0x24: {  	s3 =	sadd.s32 $0x88, s3;
	s6 =	simm.s32 @!p1 $0x1082;
	[sflag:s4] =	ssyncset.s32 $0xFFFFF086  }
0x25: {  	[simem:s6], [sflag:s4] =	dma.local [hbm:s3], $0xF7A  }
0x26: {  	[smem:$0x3F9F] =	sst s1;
	(tag) =	ssettag s2;
	_ =	strace s9  }
0x27: {  	s1 =	sld [smem:$0x3FAF]  }
0x28: {  	s2 =	sld [smem:$0x3FB0]  }
0x29: {  	s4 =	sld [smem:$0x3FB2]  }
0x2a: {  	p0 =	seq.s32 s5, $0x0;
	s5 =	sld [smem:$0x3FB3]  }
0x2b: {  	s6 =	sld [smem:$0x3FB4]  }
0x2c: {  	s7 =	sld [smem:$0x3FB5]  }
0x2d: {  	s3 =	simm.s32 $0x108;
	s8 =	sld [smem:$0x3FB6]  }
0x2e: {  	s3 =	simm.s32 @!p0 $0x1082;
	s9 =	sld [smem:$0x3FB7]  }
0x2f: {  	lr =	sadd.s32 s0, s3;
	s0 =	sld [smem:$0x3FAE]  }
0x30: {  	s3 =	sld [smem:$0x3FB1]  }
0x31: {  	[smem:$0x3FBA] =	sst s10  }
0x32: {  	s10 =	sld [smem:$0x3FB8];
	_ =	sdelay $0x3  }
0x33: {  	p0 =	seq.s32 s10, $0x1;
	s10 =	sld [smem:$0x3FBA];
	_ =	sdelay $0x3  }
0x34: {  	[smem:$0x3FBA] =	sst s10  }
0x35: {  	s10 =	sld [smem:$0x3FB9];
	_ =	sdelay $0x3  }
0x36: {  	p1 =	seq.s32 s10, $0x1;
	s10 =	sld [smem:$0x3FBA];
	_ =	sdelay $0x3  }
0x37: {  	[smem:$0x3FBA] =	sst s10  }
0x38: {  	s10 =	sld [smem:$0x3FBB]  }
0x39: {  	_ = 	snop;
	(pc) =	sbr.ind lr, $3  }
0x3a: {  	_ = 	snop  }
0x3b: {  	_ = 	snop  }
0x3c: {  	p2 =	seq.s32 s10, $0x1;
	s10 =	sld [smem:$0x3FBA]  }
0x3d: {  	_ =	shalt  }
0x3e: {  	_ =	shalt  }
0x3f: {  	_ =	shalt  }
0x40: {  	_ =	shalt  }
0x41: {  	_ =	shalt  }
0x42: {  	_ =	shalt  }
0x43: {  	_ =	shalt  }
0x44: {  	_ =	shalt  }
0x45: {  	_ =	shalt  }
0x46: {  	_ =	shalt  }
0x47: {  	_ =	shalt  }
0x48: {  	_ =	shalt  }
0x49: {  	_ =	shalt  }
0x4a: {  	_ =	shalt  }
0x4b: {  	_ =	shalt  }
0x4c: {  	_ =	shalt  }
0x4d: {  	_ =	shalt  }
0x4e: {  	_ =	shalt  }
0x4f: {  	_ =	shalt  }
0x50: {  	_ =	shalt  }
0x51: {  	_ =	shalt  }
0x52: {  	_ =	shalt  }
0x53: {  	_ =	shalt  }
0x54: {  	_ =	shalt  }
0x55: {  	_ =	shalt  }
0x56: {  	_ =	shalt  }
0x57: {  	_ =	shalt  }
0x58: {  	_ =	shalt  }
0x59: {  	_ =	shalt  }
0x5a: {  	_ =	shalt  }
0x5b: {  	_ =	shalt  }
0x5c: {  	_ =	shalt  }
0x5d: {  	_ =	shalt  }
0x5e: {  	_ =	shalt  }
0x5f: {  	_ =	shalt  }
0x60: {  	_ =	shalt  }
0x61: {  	_ =	shalt  }
0x62: {  	_ =	shalt  }
0x63: {  	_ =	shalt  }
0x64: {  	_ =	shalt  }
0x65: {  	_ =	shalt  }
0x66: {  	_ =	shalt  }
0x67: {  	_ =	shalt  }
0x68: {  	_ =	shalt  }
0x69: {  	_ =	shalt  }
0x6a: {  	_ =	shalt  }
0x6b: {  	_ =	shalt  }
0x6c: {  	_ =	shalt  }
0x6d: {  	_ =	shalt  }
0x6e: {  	_ =	shalt  }
0x6f: {  	_ =	shalt  }
0x70: {  	_ =	shalt  }
0x71: {  	_ =	shalt  }
0x72: {  	_ =	shalt  }
0x73: {  	_ =	shalt  }
0x74: {  	_ =	shalt  }
0x75: {  	_ =	shalt  }
0x76: {  	_ =	shalt  }
0x77: {  	_ =	shalt  }
0x78: {  	_ =	shalt  }
0x79: {  	_ =	shalt  }
0x7a: {  	_ =	shalt  }
0x7b: {  	_ =	shalt  }
0x7c: {  	_ =	shalt  }
0x7d: {  	_ =	shalt  }
0x7e: {  	_ =	shalt  }
0x7f: {  	_ =	shalt  }
0x80: {  	_ =	shalt  }
0x81: {  	_ =	shalt  }
0x82: {  	_ =	shalt  }
0x83: {  	_ =	shalt  }
0x84: {  	_ =	shalt  }
0x85: {  	_ =	shalt  }
0x86: {  	_ =	shalt  }
0x87: {  	_ =	shalt  }
.Lfunc_end0:
.L_simem_size_0:
called_computation_lowered:
.L_overlay_start_0:
0x88: {  	s2 =	sld [smem:$0x3FD9]  }
0x89: {  	s3 =	sld [smem:$0x3FFE];
	_ =	sdelay $0x1  }
0x8a: {  	s1 =	srdreg.scid  }
0x8b: {  	s0 =	sand.u32 $0x1, s1  }
0x8c: {  	s17 =	sshll.u32 s0, $0xA;
	s2 =	sadd.s32 s3, s2  }
0x8d: {  	s2 =	sadd.s32 s2, s17  }
0x8e: {  	[smem:$0x3FC6] =	sst s2  }
0x8f: {  	_ = 	snop  }
0x90: {  	s2 =	sld [smem:$0x3FC8]  }
0x91: {  	s18 =	sld [smem:$0x3FD0];
	(tm) =	ssettm $0x1  }
0x92: {  	s4 =	sld [smem:$0x3FFB];
	_ =	sdelay $0x3  }
0x93: {  	_ =	strace s4  }
0x94: {  	s4 =	sld [smem:$0x3FFC];
	_ =	sdelay $0x3  }
0x95: {  	_ =	strace s4  }
0x96: {  	s4 =	sld [smem:$0x3FFD];
	_ =	sdelay $0x3  }
0x97: {  	_ =	strace s4  }
0x98: {  	_ =	strace $0x8FFFFFFF  }
0x99: {  	s19 =	sld [smem:$0x3FDB];
	_ =	sdelay $0x1  }
0x9a: {  	s5 =	simm.s32 $_scs_section_size  }
0x9b: {  	s6 =	simm.s32 $_size__tile_overlayer_lowered;
	s7 =	simm.s32 $_tile_overlayer_lowered  }
0x9c: {  	s22 =	simm.s32 $0x1BFF;
	s21 =	sshll.u32 s7, $0x1;
	s4 =	sadd.s32 s5, s19  }
0x9d: {  	s8 =	simm.s32 $0x0;
	s20 =	sshll.u32 s6, $0x1;
	s6 =	sadd.s32 s21, s4  }
0x9e: {  	[timem:s8], [sflag:s22] =	dma.local [hbm:s6], s20  }
0x9f: {  	_ =	swait.ge [sflag:s22], s20  }
0xa0: {  	s5 =	ssub.s32 $0x0, s20;
	[sflag:s22] =	ssyncset.done $0x0  }
0xa1: {  	[sflag:s22] =	ssyncadd.s32 s5;
	_ =	sdelay $0x1  }
0xa2: {  	s23 =	simm.s32 $0x1B8B  }
0xa3: {  	_ =	swait.ge [sflag:s23], $0x1  }
0xa4: {  	[sflag:s23] =	ssyncset.done $0x0  }
0xa5: {  	s25 =	simm.s32 $0x1B8E;
	s24 =	sld [smem:$0x3FFE];
	[sflag:s23] =	ssyncadd.s32 $0xFFFFFFFF  }
0xa6: {  	s26 =	simm.s32 $execute0_lowered;
	[smem:$0x3FD2] =	sst s25  }
0xa7: {  	s6 =	sshll.u32 s26, $0x1;
	_ =	strace $0x80000046;
	[dreg:$0x1] =	wrdreg $0xFFFFFFFF  }
0xa8: {  	s28 =	simm.s32 $_size_execute0_lowered;
	s4 =	sadd.s32 s4, s6;
	[dreg:$0x0] =	wrdreg $0x0  }
0xa9: {  	s6 =	sshll.u32 s28, $0x1;
	[dreg:$0x2] =	wrdreg s4  }
0xaa: {  	[dreg:$0x3] =	wrdreg s6  }
0xab: {  	[dreg:$0x4] =	wrdreg $0xC0  }
0xac: {  	_ =	task [dreg:s8], $0x5FFFF  }
0xad: {  	[dreg:$0x1] =	wrdreg $0xFFFFFFFF  }
0xae: {  	[dreg:$0x0] =	wrdreg $0x60  }
0xaf: {  	[dreg:$0x2] =	wrdreg s24  }
0xb0: {  	[dreg:$0x3] =	wrdreg s2  }
0xb1: {  	[dreg:$0x4] =	wrdreg s18  }
0xb2: {  	[dreg:$0x5] =	wrdreg $0xE4800  }
0xb3: {  	[dreg:$0x6] =	wrdreg $0x9  }
0xb4: {  	_ =	task.clear_ibuf [dreg:s8], $0x7FFFF;
	_ =	strace $0x90000046  }
0xb5: {  	s29 =	simm.s32 $0x9;
	_ =	strace $0x80000048  }
0xb6: {  	_ =	swait.ge [sflag:s29], $0x1  }
0xb7: {  	[sflag:s29] =	ssyncadd.s32 $0xFFFFFFFF  }
0xb8: {  	_ =	strace $0x90000048  }
0xb9: {  	_ =	sfence  }
0xba: {  	s30 =	sld [smem:$0x0];
	_ =	sdelay $0x2  }
0xbb: {  	s31 =	sshll.u32 s1, $0xD;
	s1 =	sshrl.u32 s1, $0x2  }
0xbc: {  	s3 =	sand.u32 $0x4000, s31;
	s1 =	sadd.s32 s1, s30  }
0xbd: {  	s0 =	sor.u32 s3, s0;
	s1 =	sshll.u32 s1, $0x11  }
0xbe: {  	s0 =	sor.u32 s1, s0  }
0xbf: {  	s0 =	sadd.s32 $0x8F2B, s0  }
0xc0: {  	[sflag:s0] =	ssyncadd.remote.s32 $0x1  }
0xc1: {  	_ =	sfence.sel $0xFFFF  }
0xc2: {  	[dreg:$0x0] =	wrdreg $0xFFFFFFFF;
	(pc) =	sbr.abs _section_cstart, $3  }
0xc3: {  	[dreg:$0x1] =	wrdreg $0xFFFFFFFF  }
0xc4: {  	_ =	task.clear_ibuf [dreg:s8], $0x2FFFF;
	_ =	strace $0x9FFFFFFF  }
0xc5: {  	(tm) =	ssettm $0x7FFFFFFF  }
tec
execute0_lowered:
.L_overlay_start_1:
0x0: {  	(tag) =	ssettag $0x1  }
0x1: {  	s5 =	rddreg [dreg:$0x0]  }
0x2: {  	s6 =	rddreg [dreg:$0x1]  }
0x3: {  	s2 =	rddreg [dreg:$0x2]  }
0x4: {  	s3 =	rddreg [dreg:$0x3]  }
0x5: {  	s0 =	rddreg [dreg:$0x4];
	s4 =	simm.s32 $0x0  }
0x6: {  	s1 =	stileid.u32;
	s7 =	srdreg.scid;
	s14 =	simm.s32 $0x3  }
0x7: {  	s15 =	simm.s32 $0x1;
	s16 =	simm.s32 $0x2;
	s17 =	simm.s32 $0x0  }
0x8: {  	[smem:$0x7FF] =	sst s4;
	s8 =	sshll.u32 s1, $0x8;
	s10 =	sand.u32 $0x1, s7  }
0x9: {  	s11 =	sshll.u32 s1, $0x1;
	s12 =	smul.u32 $0xC000, s1;
	s30 =	sshll.u32 s1, $0x6  }
0xa: {  	s31 =	sand.u32 $0x3, s1;
	_ =	strace $0x80000047;
	s25 =	sand.u32 $0xC00, s8  }
0xb: {  	s26 =	ssub.s32 $0x2, s10;
	s28 =	sor.u32 s10, s11;
	s11 =	sshll.u32 s31, $0x5  }
0xc: {  	s10 =	sshll.u32 s10, $0x4;
	s9 =	sshrl.u32 s26, $0x1;
	s7 =	sadd.s32 s25, s5  }
.Ltmp0:
0xd: {  	s13 =	sand.u32 $0x7, s28;
	s29 =	sshrl.u32 s12, $0x3;
	(pc) =	sbr.rel .LBB2_1-.Ltmp0, $4  }
0xe: {  	s12 =	sadd.s32 s12, s3;
	s8 =	sshll.u32 s28, $0xA;
	s10 =	sor.u32 s10, s11  }
0xf: {  	s9 =	ssub.s32 s26, s9;
	s5 =	sadd.s32 s6, s29;
	s6 =	sor.u32 $0x1C03, s30  }
0x10: {  	v0 =	vlaneseq.u32;
	s7 =	sadd.s32 $0x400, s7;
	s11 =	sshll.u32 s13, $0xA;
	p0 =	seq.s32 s13, $0x0  }
0x11: {  	v1 =	vimm.s32 $0x1;
	v3 =	vimm.s32 $0x0;
	v2 =	vor.u32 $0x80000000, v0;
	s12 =	sshrl.u32 s12, $0x3;
	s13 =	simm.s32 $0x4;
	s9 =	smax.u32 s9, $0x1  }
.LBB2_20:
0x12: {  	s17 =	sadd.s32 $0x1, s17  }
0x13: {  	_ =	swait.ge [sflag:s15], $0x6000;
	p1 =	sne.s32 s17, s9  }
.Ltmp1:
0x14: {  	[sflag:s15] =	ssyncset.done $0x0;
	(pc) =	sbr.rel @!p1 .LBB2_21-.Ltmp1, $4  }
0x15: {  	[sflag:s15] =	ssyncadd.s32 $0xFFFFA000  }
0x16: {  	_ =	swait.ge [sflag:s16], $0x6000  }
0x17: {  	[sflag:s16] =	ssyncset.done $0x0  }
0x18: {  	[sflag:s16] =	ssyncadd.s32 $0xFFFFA000  }
.LBB2_1:
0x19: {  	[spmem:s12], [sflag:s6] =	dma.local [hbm:s5], $0x1800  }
0x1a: {  	[tilespmem:s4], [sflag:$0x4] =	stream.linear.gather [hbm4b:s7+s4], $0x2000, $0x38;
	[tilespmem:$0x1A480] =	vst v63  }
0x1b: {  	_ =	swait.ge [sflag:s13], $0x2000  }
0x1c: {  	[sflag:s13] =	ssyncset.done $0x0  }
.Ltmp2:
0x1d: {  	[sflag:s13] =	ssyncadd.s32 $0xFFFFE000;
	(pc) =	sbr.rel @p0 .LBB2_22-.Ltmp2, $4  }
0x1e: {  	[tilespmem:$0xE400] =	vst v1  }
0x1f: {  	[tilespmem:$0xE410] =	vst v1  }
0x20: {  	[tilespmem:$0xE420] =	vst v1  }
0x21: {  	[tilespmem:$0xE430] =	vst v1  }
0x22: {  	p2 =	sne.s32 s10, $0x1  }
.Ltmp3:
0x23: {  	s18 =	simm.s32 $0x20;
	(pc) =	sbr.rel @!p2 .LBB2_3-.Ltmp3, $4  }
0x24: {  	v5 =	vld [tilespmem:s18+$0xFFFFFFE0]  }
0x25: {  	v6 =	vld [tilespmem:s18+$0xFFFFFFF0]  }
0x26: {  	v8 =	vld [tilespmem:s18+$0x0]  }
0x27: {  	v4 =	vimm.s32 $0xFFFFFFFF;
	v7 =	vor.u32 s4, v0;
	s21 =	simm.s32 $0x10;
	s20 =	sadd.s32 $0xFFFFFFFF, s10;
	p1 =	por $0x0, $0x0;
	v9 =	vld [tilespmem:s18+$0x10]  }
0x28: {  	_ = 	snop  }
0x29: {  	v10 =	vor.u32 s21, v0;
	s18 =	simm.s32 $0x20;
	s19 =	simm.s32 $0x30  }
0x2a: {  	p2 =	sne.s32 s20, $0x1;
	v13 =	vor.u32 s18, v0;
	v14 =	vor.u32 s19, v0;
	v5 =	vadd.s32 $0xFFFFFFFC, v5;
	s19 =	simm.s32 $0x60  }
.Ltmp4:
0x2b: {  	v6 =	vadd.s32 $0xFFFFFFFC, v6;
	vm0 =	vlt.u32 v5, $0xA;
	v5 =	vld [tilespmem:s19+$0xFFFFFFE0];
	v8 =	vadd.s32 $0xFFFFFFFC, v8;
	(pc) =	sbr.rel @!p2 .LBB2_5-.Ltmp4, $4  }
0x2c: {  	s18 =	simm.s32 $0x40;
	vm1 =	vlt.u32 v6, $0xA;
	v11 =	vsel vm0, $0xFFFFFFFF, v7;
	v6 =	vld [tilespmem:s19+$0xFFFFFFF0];
	v9 =	vadd.s32 $0xFFFFFFFC, v9  }
0x2d: {  	v7 =	vor.u32 s18, v0;
	vm0 =	vlt.u32 v8, $0xA;
	v8 =	vld [tilespmem:s19+$0x0];
	vm2 =	vlt.u32 v9, $0xA  }
0x2e: {  	v12 =	vsel vm1, $0xFFFFFFFF, v10;
	v13 =	vsel vm0, $0xFFFFFFFF, v13;
	v9 =	vld [tilespmem:s19+$0x10];
	v14 =	vsel vm2, $0xFFFFFFFF, v14  }
0x2f: {  	s21 =	simm.s32 $0x50;
	s20 =	sadd.s32 $0xFFFFFFFF, s20;
	p1 =	por $0x1, $0x1;
	v10 =	vimm.s32 $0xFFFFFFFF;
	vm0 =	vgt.s32 v11, v12;
	vm1 =	vgt.s32 v13, v14  }
.LBB2_6:
0x30: {  	p2 =	sne.s32 s20, $0x1;
	v15 =	vor.u32 s21, v0;
	s21 =	sadd.s32 $0x20, s18;
	s22 =	sadd.s32 $0x30, s18;
	v11 =	vsel vm0, v11, v12;
	v12 =	vsel vm1, v13, v14  }
0x31: {  	v13 =	vor.u32 s21, v0;
	v14 =	vor.u32 s22, v0;
	vm0 =	vgt.s32 v11, v12  }
0x32: {  	v16 =	vadd.s32 $0xFFFFFFFC, v5;
	s19 =	sadd.s32 $0x40, s19;
	v17 =	vadd.s32 $0xFFFFFFFC, v6;
	v11 =	vsel vm0, v11, v12  }
.Ltmp5:
0x33: {  	v12 =	vadd.s32 $0xFFFFFFFC, v8;
	v5 =	vld [tilespmem:s19+$0xFFFFFFE0];
	v9 =	vadd.s32 $0xFFFFFFFC, v9;
	vm0 =	vgt.s32 v10, v11;
	(pc) =	sbr.rel @p2 .LBB2_6-.Ltmp5, $4  }
0x34: {  	vm1 =	vlt.u32 v16, $0xA;
	vm2 =	vlt.u32 v17, $0xA;
	v6 =	vld [tilespmem:s19+$0xFFFFFFF0];
	v10 =	vsel vm0, v10, v11  }
0x35: {  	v11 =	vsel vm1, $0xFFFFFFFF, v7;
	vm0 =	vlt.u32 v12, $0xA;
	vm1 =	vlt.u32 v9, $0xA;
	v8 =	vld [tilespmem:s19+$0x0]  }
0x36: {  	s18 =	sadd.s32 $0x40, s18;
	v12 =	vsel vm2, $0xFFFFFFFF, v15;
	v13 =	vsel vm0, $0xFFFFFFFF, v13;
	v14 =	vsel vm1, $0xFFFFFFFF, v14;
	v9 =	vld [tilespmem:s19+$0x10]  }
0x37: {  	s20 =	sadd.s32 $0xFFFFFFFF, s20;
	s21 =	sadd.s32 $0x10, s18;
	v7 =	vor.u32 s18, v0;
	vm0 =	vgt.s32 v11, v12;
	vm1 =	vgt.s32 v13, v14  }
.LBB2_7:
0x38: {  	v15 =	vor.u32 s21, v0;
	s19 =	sadd.s32 $0x20, s18;
	s31 =	sadd.s32 $0x30, s18;
	v11 =	vsel @p1 vm0, v11, v12;
	v12 =	vsel @p1 vm1, v13, v14  }
0x39: {  	v5 =	vadd.s32 $0xFFFFFFFC, v5;
	v61 =	vor.u32 s19, v0;
	v62 =	vor.u32 s31, v0  }
0x3a: {  	v6 =	vadd.s32 $0xFFFFFFFC, v6;
	vm11 =	vlt.u32 v5, $0xA;
	vm1 =	vgt.s32 @p1 v11, v12  }
0x3b: {  	v8 =	vadd.s32 $0xFFFFFFFC, v8;
	vm12 =	vlt.u32 v6, $0xA;
	v5 =	vadd.s32 $0xFFFFFFFC, v9  }
0x3c: {  	v6 =	vsel vm11, $0xFFFFFFFF, v7;
	vm13 =	vlt.u32 v8, $0xA;
	vm2 =	vlt.u32 v5, $0xA  }
0x3d: {  	v5 =	vsel vm12, $0xFFFFFFFF, v15;
	v7 =	vsel vm13, $0xFFFFFFFF, v61;
	v63 =	vsel vm2, $0xFFFFFFFF, v62  }
0x3e: {  	v9 =	vsel @p1 vm1, v11, v12;
	vm14 =	vgt.s32 v6, v5;
	vm15 =	vgt.s32 v7, v63  }
0x3f: {  	vm2 =	vgt.s32 @p1 v10, v9;
	v5 =	vsel vm14, v6, v5;
	v6 =	vsel vm15, v7, v63  }
.Ltmp6:
0x40: {  	v7 =	vsel @p1 vm2, v10, v9;
	vm0 =	vgt.s32 v5, v6;
	(pc) =	sbr.rel .LBB2_8-.Ltmp6, $4  }
0x41: {  	v4 =	vpsel p1, v7, v4;
	v5 =	vsel vm0, v5, v6  }
0x42: {  	vm0 =	vgt.s32 v4, v5  }
0x43: {  	v4 =	vsel vm0, v4, v5  }
0x44: {  	v4 =	vxor.u32 $0x80000000, v4  }
.LBB2_22:
0x45: {  	v4 =	vimm.s32 $0x7FFFFFFF  }
.LBB2_8:
0x46: {  	(xrf0) =	vmax.scan.msk.u32 $0xffff, v4;
	_ =	sdelay $0x4  }
0x47: {  	s18 =	simm.s32 $0x0;
	s19 =	sadd.s32 $0x0, s11  }
0x48: {  	s20 =	sand.u32 $0x1F80, s19;
	s18 =	sand.u32 $0x70, s18;
	v4, _, _ =	vpop (xrf0)  }
0x49: {  	s18 =	sor.u32 s18, s20;
	(v2sf) =	vpush v4, $0xF  }
0x4a: {  	v4 =	vld [tilespmem:s18+$0x0];
	_ =	sdelay $0x4  }
0x4b: {  	v4 =	vadd.s32 $0xFFFFFFFC, v4  }
0x4c: {  	vm0 =	vlt.u32 v4, $0xA;
	v4 =	vor.u32 s19, v2  }
0x4d: {  	v4 =	vsel vm0, $0x7FFFFFFF, v4  }
0x4e: {  	(xrf0) =	vmax.scan.msk.u32 $0xffff, v4;
	_ =	sdelay $0x5  }
0x4f: {  	v4, _, _ =	vpop (xrf0);
	s28 =	spop (v2sf)  }
0x50: {  	v4 =	vxor.u32 $0x80000000, v4;
	s18 =	sxor.u32 $0x80000000, s28  }
0x51: {  	vm1 =	vgt.s32 v4, s18  }
0x52: {  	v4 =	vnsel vm1, s18, v4  }
0x53: {  	v5 =	vxor.u32 $0x80000000, v4  }
0x54: {  	(xrf0) =	vmax.scan.msk.u32 $0xffff, v5;
	_ =	sdelay $0x1  }
0x55: {  	v5 =	vor.u32 s19, v0  }
0x56: {  	v4 =	vsub.s32 v5, v4  }
0x57: {  	vm1 =	vlt.s32 v4, $0x3FF  }
0x58: {  	s29 =	simm.s32 $0x10;
	s30 =	sadd.s32 $0x10, s11;
	v4 =	vnsel vm1, $0x3FF, v4  }
0x59: {  	s21 =	sand.u32 $0x1F80, s30;
	s18 =	simm.s32 $0x2000;
	s19 =	sand.u32 $0x70, s29;
	v4 =	vnsel vm0, $0x0, v4;
	v5, _, _ =	vpop (xrf0)  }
0x5a: {  	s19 =	sor.u32 s19, s21;
	[tilespmem:s18+$0x0] =	vst v4;
	(v2sf) =	vpush v5, $0xF  }
0x5b: {  	v4 =	vld [tilespmem:s19+$0x0];
	_ =	sdelay $0x4  }
0x5c: {  	v4 =	vadd.s32 $0xFFFFFFFC, v4  }
0x5d: {  	vm0 =	vlt.u32 v4, $0xA;
	v4 =	vor.u32 s30, v2  }
0x5e: {  	v4 =	vsel vm0, $0x7FFFFFFF, v4  }
0x5f: {  	(xrf0) =	vmax.scan.msk.u32 $0xffff, v4;
	_ =	sdelay $0x5  }
0x60: {  	v4, _, _ =	vpop (xrf0);
	s31 =	spop (v2sf)  }
0x61: {  	v4 =	vxor.u32 $0x80000000, v4;
	s19 =	sxor.u32 $0x80000000, s31  }
0x62: {  	vm1 =	vgt.s32 v4, s19  }
0x63: {  	v5 =	vor.u32 s30, v0;
	v4 =	vnsel vm1, s19, v4  }
0x64: {  	v5 =	vsub.s32 v5, v4;
	v4 =	vxor.u32 $0x80000000, v4  }
0x65: {  	vm1 =	vlt.s32 v5, $0x3FF;
	(xrf0) =	vmax.scan.msk.u32 $0xffff, v4  }
0x66: {  	s20 =	simm.s32 $0x30;
	s19 =	simm.s32 $0x20;
	v4 =	vnsel vm1, $0x3FF, v5  }
.LBB2_9:
0x67: {  	p1 =	sne.s32 s20, $0x3F0;
	v4 =	vnsel vm0, $0x0, v4;
	s18 =	sadd.s32 $0x10, s18  }
0x68: {  	[tilespmem:s18+$0x0] =	vst v4;
	_ =	sdelay $0x1  }
0x69: {  	s21 =	sadd.s32 s19, s11  }
0x6a: {  	s23 =	sand.u32 $0x70, s19;
	s19 =	smov.u32 s20;
	s22 =	sand.u32 $0x1F80, s21;
	v4, _, _ =	vpop (xrf0)  }
0x6b: {  	s22 =	sor.u32 s23, s22;
	(v2sf) =	vpush v4, $0xF  }
0x6c: {  	v4 =	vld [tilespmem:s22+$0x0];
	_ =	sdelay $0x4  }
0x6d: {  	v4 =	vadd.s32 $0xFFFFFFFC, v4  }
0x6e: {  	vm0 =	vlt.u32 v4, $0xA;
	v4 =	vor.u32 s21, v2  }
0x6f: {  	v4 =	vsel vm0, $0x7FFFFFFF, v4  }
0x70: {  	(xrf0) =	vmax.scan.msk.u32 $0xffff, v4;
	_ =	sdelay $0x5  }
0x71: {  	v4, _, _ =	vpop (xrf0);
	s22 =	spop (v2sf)  }
0x72: {  	s22 =	sxor.u32 $0x80000000, s22;
	v4 =	vxor.u32 $0x80000000, v4  }
.Ltmp7:
0x73: {  	vm1 =	vgt.s32 v4, s22;
	(pc) =	sbr.rel @p1 .LBB2_9-.Ltmp7, $4  }
0x74: {  	v5 =	vor.u32 s21, v0;
	v4 =	vnsel vm1, s22, v4  }
0x75: {  	v5 =	vsub.s32 v5, v4;
	v4 =	vxor.u32 $0x80000000, v4  }
0x76: {  	vm1 =	vlt.s32 v5, $0x3FF;
	(xrf0) =	vmax.scan.msk.u32 $0xffff, v4  }
0x77: {  	s20 =	sadd.s32 $0x10, s20;
	v4 =	vnsel vm1, $0x3FF, v5  }
0x78: {  	_ =	sdelay $0x2  }
0x79: {  	s20 =	sadd.s32 s19, s11  }
0x7a: {  	v4 =	vnsel vm0, $0x0, v4;
	s18 =	sadd.s32 $0x10, s18;
	s29 =	sand.u32 $0x70, s19;
	s21 =	sand.u32 $0x1F80, s20;
	v5, _, _ =	vpop (xrf0)  }
0x7b: {  	[tilespmem:s18+$0x0] =	vst v4;
	s19 =	sor.u32 s29, s21;
	(v2sf) =	vpush v5, $0xF  }
0x7c: {  	v4 =	vld [tilespmem:s19+$0x0];
	_ =	sdelay $0x4  }
0x7d: {  	v4 =	vadd.s32 $0xFFFFFFFC, v4  }
0x7e: {  	vm14 =	vlt.u32 v4, $0xA;
	v4 =	vor.u32 s20, v2  }
0x7f: {  	v4 =	vsel vm14, $0x7FFFFFFF, v4  }
0x80: {  	(xrf0) =	vmax.scan.msk.u32 $0xffff, v4;
	_ =	sdelay $0x5  }
0x81: {  	v4, _, _ =	vpop (xrf0);
	s30 =	spop (v2sf)  }
0x82: {  	v4 =	vxor.u32 $0x80000000, v4;
	s19 =	sxor.u32 $0x80000000, s30  }
0x83: {  	vm1 =	vgt.s32 v4, s19  }
0x84: {  	v4 =	vnsel vm1, s19, v4  }
0x85: {  	v5 =	vxor.u32 $0x80000000, v4  }
0x86: {  	(xrf0) =	vmax.scan.msk.u32 $0xffff, v5;
	_ =	sdelay $0x5  }
0x87: {  	v5, _, _ =	vpop (xrf0)  }
0x88: {  	(v2sf) =	vpush v5, $0xF;
	_ =	sdelay $0x9  }
0x89: {  	v5 =	vor.u32 s20, v0  }
0x8a: {  	v4 =	vsub.s32 v5, v4  }
0x8b: {  	vm15 =	vlt.s32 v4, $0x3FF  }
0x8c: {  	v4 =	vnsel vm15, $0x3FF, v4  }
0x8d: {  	s18 =	sadd.s32 $0x10, s18;
	v4 =	vnsel vm14, $0x0, v4  }
0x8e: {  	[tilespmem:s18+$0x0] =	vst v4;
	s31 =	spop (v2sf)  }
.Ltmp8:
0x8f: {  	_ =	swait.ge [sflag:s14], $0x1800;
	(pc) =	sbr.rel .LBB2_11-.Ltmp8, $4  }
0x90: {  	[sflag:s14] =	ssyncset.done $0x0  }
0x91: {  	[sflag:s14] =	ssyncadd.s32 $0xFFFFE800  }
0x92: {  	[bflag:$0x0] =	sbarrier.arrive $0xFFFF  }
0x93: {  	s19 =	simm.s32 $0x0;
	s18 =	simm.s32 $0x0  }
.LBB2_18:
0x94: {  	[sflag:s14] =	ssyncadd.s32 $0xFFFFFD00  }
.LBB2_19:
0x95: {  	p1 =	seq.s32 s20, $0x3  }
0x96: {  	s21 =	sshll.u32 @p1 s19, $0x4;
	p2 =	sne.s32 @!p1 s20, $0x1  }
0x97: {  	s21 =	sadd.s32 @p1 s8, s21;
	p2 =	por p2, p1  }
0x98: {  	s20 =	sadd.s32 @p1 $0xFFFFFFF0, s21;
	s21 =	sshll.u32 @!p2 s19, $0x4  }
0x99: {  	s20 =	sshrl.u32 @p1 s20, $0x3;
	s21 =	sadd.s32 @!p2 s8, s21  }
0x9a: {  	s20 =	smul.u32 @p1 $0x300, s20;
	s21 =	sadd.s32 @!p2 $0xFFFFFFF0, s21  }
0x9b: {  	s22 =	simm.s32 @p1 $0x0;
	s24 =	simm.s32 @p1 $0x8400;
	s21 =	sshrl.u32 @!p2 s21, $0x3  }
0x9c: {  	s19 =	sadd.s32 $0x1, s19;
	s20 =	sadd.s32 @p1 s2, s20;
	s21 =	smul.u32 @!p2 $0x300, s21  }
0x9d: {  	[hbm4b:s20+s22] =	stream.linear.scatter @p1 [tilespmem:s24], [sflag:$0x2], $0x6000, $0x38;
	[tilespmem:$0x1A480] =	vst v63  }
0x9e: {  	s22 =	simm.s32 @!p2 $0x2400;
	s20 =	sadd.s32 @!p2 s2, s21;
	s21 =	simm.s32 @!p2 $0x0  }
0x9f: {  	[hbm4b:s20+s21] =	stream.linear.scatter @!p2 [tilespmem:s22], [sflag:$0x1], $0x6000, $0x38;
	[tilespmem:$0x1A480] =	vst v63  }
0xa0: {  	p2 =	sne.s32 s19, $0x40  }
.Ltmp9:
0xa1: {  	_ = 	snop;
	(pc) =	sbr.rel @!p2 .LBB2_20-.Ltmp9, $3  }
0xa2: {  	_ =	sdelay $0x1  }
0xa3: {  	p1 =	seq.s32 s23, $0x1  }
0xa4: {  	s18 =	simm.s32 @p1 $0x0  }
.LBB2_11:
0xa5: {  	s20 =	sand.u32 $0x3, s19;
	p1 =	slt.u32 s19, $0x4  }
0xa6: {  	p2 =	seq.s32 @!p1 s20, $0x0  }
0xa7: {  	p1 =	por p1, !p2  }
0xa8: {  	p2 =	slt.u32 @p1 s19, $0x4  }
0xa9: {  	p3 =	por p2, !p1  }
0xaa: {  	p3 =	sne.s32 @!p3 s20, $0x2  }
0xab: {  	p2 =	por @p1 p2, p3  }
0xac: {  	p2 =	por !p1, !p2  }
.Ltmp10:
0xad: {  	_ = 	snop;
	(pc) =	sbr.rel @!p2 .LBB2_13-.Ltmp10, $1  }
0xae: {  	_ =	sdelay $0x3  }
0xaf: {  	s21 =	simm.s32 $0x1  }
0xb0: {  	s21 =	simm.s32 @p1 $0x2  }
0xb1: {  	_ =	swait.ge [sflag:s21], $0x6000  }
0xb2: {  	[sflag:s21] =	ssyncset.done $0x0  }
0xb3: {  	[sflag:s21] =	ssyncadd.s32 $0xFFFFA000  }
.LBB2_13:
0xb4: {  	s21 =	sshll.u32 s19, $0x4  }
0xb5: {  	s22 =	sshll.u32 s20, $0x6;
	s21 =	sand.u32 $0x3FFFFFF0, s21  }
0xb6: {  	v4 =	vld [tilespmem:s21+$0x2000];
	s21 =	sshrl.u32 s22, $0x2  }
0xb7: {  	v5 =	vld [tilespmem:s21+$0xE400];
	_ =	sdelay $0x4  }
0xb8: {  	vm0 =	vgt.s32 v4, $0x0;
	vm1 =	vgt.s32 v5, $0x0  }
0xb9: {  	vm1 =	vmor vm0, vm1  }
0xba: {  	v5 =	vsel vm1, $0x1, v3  }
0xbb: {  	(xrf0) =	vadd.scan.msk.s32 $0xffff, v5;
	_ =	sdelay $0x5  }
0xbc: {  	v5, _, _ =	vpop (xrf0)  }
0xbd: {  	(v2sf) =	vpush v5, $0xF;
	_ =	sdelay $0xe  }
0xbe: {  	s22 =	spop (v2sf)  }
0xbf: {  	p1 =	slt.s32 s22, $0x1  }
.Ltmp11:
0xc0: {  	_ = 	snop;
	(pc) =	sbr.rel @p1 .LBB2_15-.Ltmp11, $1  }
0xc1: {  	_ =	sdelay $0x3  }
0xc2: {  	v5 =	vsel vm1, $0x10000, v3  }
0xc3: {  	v4 =	vadd.s32 v4, v5  }
0xc4: {  	(v2sf) =	vpush v4, $0x0;
	_ =	sdelay $0xe  }
0xc5: {  	s23 =	spop (v2sf)  }
0xc6: {  	p1 =	slt.s32 s23, $0x10000  }
0xc7: {  	s24 =	sadd.s32 @!p1 $0xFFFF0000, s23  }
0xc8: {  	(v2sf) =	vpush v4, $0x1;
	s24 =	sshrl.u32 @!p1 s24, $0x3  }
0xc9: {  	s24 =	smul.u32 @!p1 $0x6000, s24  }
0xca: {  	s25 =	smul.u32 @!p1 $0xC000, s20  }
0xcb: {  	s23 =	sshll.u32 @!p1 s23, $0x7;
	s24 =	sshra.s32 @!p1 s24, $0x2  }
0xcc: {  	s23 =	sand.u32 @!p1 $0x380, s23;
	s25 =	sshrl.u32 @!p1 s25, $0x2;
	s24 =	sadd.s32 @!p1 s24, s3  }
0xcd: {  	s26 =	sadd.s32 @!p1 $0x2400, s25;
	s23 =	sadd.s32 @!p1 s23, s24  }
0xce: {  	[tilespmem:s26], [sflag:$0x3] =	stream.linear.gather @!p1 [spmem:s23], $0x80, $0x38;
	[tilespmem:$0x1A480] =	vst v63  }
0xcf: {  	s24 =	sadd.s32 @!p1 $0x400, s23;
	s26 =	sadd.s32 @!p1 $0x2800, s25  }
0xd0: {  	[tilespmem:s26], [sflag:$0x3] =	stream.linear.gather @!p1 [spmem:s24], $0x80, $0x38;
	[tilespmem:$0x1A480] =	vst v63  }
0xd1: {  	s24 =	sadd.s32 @!p1 $0x800, s23;
	s26 =	sadd.s32 @!p1 $0x2C00, s25  }
0xd2: {  	[tilespmem:s26], [sflag:$0x3] =	stream.linear.gather @!p1 [spmem:s24], $0x80, $0x38;
	[tilespmem:$0x1A480] =	vst v63  }
0xd3: {  	s24 =	sadd.s32 @!p1 $0xC00, s23;
	s26 =	sadd.s32 @!p1 $0x3000, s25  }
0xd4: {  	[tilespmem:s26], [sflag:$0x3] =	stream.linear.gather @!p1 [spmem:s24], $0x80, $0x38;
	[tilespmem:$0x1A480] =	vst v63  }
0xd5: {  	s24 =	sadd.s32 @!p1 $0x1000, s23;
	s26 =	sadd.s32 @!p1 $0x3400, s25  }
0xd6: {  	[tilespmem:s26], [sflag:$0x3] =	stream.linear.gather @!p1 [spmem:s24], $0x80, $0x38;
	[tilespmem:$0x1A480] =	vst v63  }
0xd7: {  	s23 =	sadd.s32 @!p1 $0x1400, s23;
	s25 =	sadd.s32 @!p1 $0x3800, s25;
	s24 =	spop (v2sf)  }
0xd8: {  	[tilespmem:s25], [sflag:$0x3] =	stream.linear.gather @!p1 [spmem:s23], $0x80, $0x38;
	[tilespmem:$0x1A480] =	vst v63  }
0xd9: {  	p1 =	slt.s32 s24, $0x10000  }
0xda: {  	s23 =	sadd.s32 @!p1 $0xFFFF0000, s24  }
0xdb: {  	(v2sf) =	vpush v4, $0x2;
	s23 =	sshrl.u32 @!p1 s23, $0x3  }
0xdc: {  	s23 =	smul.u32 @!p1 $0x6000, s23  }
0xdd: {  	s25 =	smul.u32 @!p1 $0xC000, s20  }
0xde: {  	s24 =	sshll.u32 @!p1 s24, $0x7;
	s23 =	sshra.s32 @!p1 s23, $0x2  }
0xdf: {  	s24 =	sand.u32 @!p1 $0x380, s24;
	s25 =	sshrl.u32 @!p1 s25, $0x2;
	s23 =	sadd.s32 @!p1 s23, s3  }
0xe0: {  	s26 =	sadd.s32 @!p1 $0x2480, s25;
	s23 =	sadd.s32 @!p1 s24, s23  }
0xe1: {  	[tilespmem:s26], [sflag:$0x3] =	stream.linear.gather @!p1 [spmem:s23], $0x80, $0x38;
	[tilespmem:$0x1A480] =	vst v63  }
0xe2: {  	s24 =	sadd.s32 @!p1 $0x400, s23;
	s26 =	sadd.s32 @!p1 $0x2880, s25  }
0xe3: {  	[tilespmem:s26], [sflag:$0x3] =	stream.linear.gather @!p1 [spmem:s24], $0x80, $0x38;
	[tilespmem:$0x1A480] =	vst v63  }
0xe4: {  	s24 =	sadd.s32 @!p1 $0x800, s23;
	s26 =	sadd.s32 @!p1 $0x2C80, s25  }
0xe5: {  	[tilespmem:s26], [sflag:$0x3] =	stream.linear.gather @!p1 [spmem:s24], $0x80, $0x38;
	[tilespmem:$0x1A480] =	vst v63  }
0xe6: {  	s24 =	sadd.s32 @!p1 $0xC00, s23;
	s26 =	sadd.s32 @!p1 $0x3080, s25  }
0xe7: {  	[tilespmem:s26], [sflag:$0x3] =	stream.linear.gather @!p1 [spmem:s24], $0x80, $0x38;
	[tilespmem:$0x1A480] =	vst v63  }
0xe8: {  	s24 =	sadd.s32 @!p1 $0x1000, s23;
	s26 =	sadd.s32 @!p1 $0x3480, s25  }
0xe9: {  	[tilespmem:s26], [sflag:$0x3] =	stream.linear.gather @!p1 [spmem:s24], $0x80, $0x38;
	[tilespmem:$0x1A480] =	vst v63  }
0xea: {  	s23 =	sadd.s32 @!p1 $0x1400, s23;
	s25 =	sadd.s32 @!p1 $0x3880, s25;
	s24 =	spop (v2sf)  }
0xeb: {  	[tilespmem:s25], [sflag:$0x3] =	stream.linear.gather @!p1 [spmem:s23], $0x80, $0x38;
	[tilespmem:$0x1A480] =	vst v63  }
0xec: {  	p1 =	slt.s32 s24, $0x10000  }
0xed: {  	s23 =	sadd.s32 @!p1 $0xFFFF0000, s24  }
0xee: {  	(v2sf) =	vpush v4, $0x3;
	s23 =	sshrl.u32 @!p1 s23, $0x3  }
0xef: {  	s23 =	smul.u32 @!p1 $0x6000, s23  }
0xf0: {  	s25 =	smul.u32 @!p1 $0xC000, s20  }
0xf1: {  	s24 =	sshll.u32 @!p1 s24, $0x7;
	s23 =	sshra.s32 @!p1 s23, $0x2  }
0xf2: {  	s24 =	sand.u32 @!p1 $0x380, s24;
	s25 =	sshrl.u32 @!p1 s25, $0x2;
	s23 =	sadd.s32 @!p1 s23, s3  }
0xf3: {  	s26 =	sadd.s32 @!p1 $0x2500, s25;
	s23 =	sadd.s32 @!p1 s24, s23  }
0xf4: {  	[tilespmem:s26], [sflag:$0x3] =	stream.linear.gather @!p1 [spmem:s23], $0x80, $0x38;
	[tilespmem:$0x1A480] =	vst v63  }
0xf5: {  	s24 =	sadd.s32 @!p1 $0x400, s23;
	s26 =	sadd.s32 @!p1 $0x2900, s25  }
0xf6: {  	[tilespmem:s26], [sflag:$0x3] =	stream.linear.gather @!p1 [spmem:s24], $0x80, $0x38;
	[tilespmem:$0x1A480] =	vst v63  }
0xf7: {  	s24 =	sadd.s32 @!p1 $0x800, s23;
	s26 =	sadd.s32 @!p1 $0x2D00, s25  }
0xf8: {  	[tilespmem:s26], [sflag:$0x3] =	stream.linear.gather @!p1 [spmem:s24], $0x80, $0x38;
	[tilespmem:$0x1A480] =	vst v63  }
0xf9: {  	s24 =	sadd.s32 @!p1 $0xC00, s23;
	s26 =	sadd.s32 @!p1 $0x3100, s25  }
0xfa: {  	[tilespmem:s26], [sflag:$0x3] =	stream.linear.gather @!p1 [spmem:s24], $0x80, $0x38;
	[tilespmem:$0x1A480] =	vst v63  }
0xfb: {  	s24 =	sadd.s32 @!p1 $0x1000, s23;
	s26 =	sadd.s32 @!p1 $0x3500, s25  }
0xfc: {  	[tilespmem:s26], [sflag:$0x3] =	stream.linear.gather @!p1 [spmem:s24], $0x80, $0x38;
	[tilespmem:$0x1A480] =	vst v63  }
0xfd: {  	s23 =	sadd.s32 @!p1 $0x1400, s23;
	s25 =	sadd.s32 @!p1 $0x3900, s25;
	s24 =	spop (v2sf)  }
0xfe: {  	[tilespmem:s25], [sflag:$0x3] =	stream.linear.gather @!p1 [spmem:s23], $0x80, $0x38;
	[tilespmem:$0x1A480] =	vst v63  }
0xff: {  	p1 =	slt.s32 s24, $0x10000  }
0x100: {  	s23 =	sadd.s32 @!p1 $0xFFFF0000, s24  }
0x101: {  	(v2sf) =	vpush v4, $0x4;
	s23 =	sshrl.u32 @!p1 s23, $0x3  }
0x102: {  	s23 =	smul.u32 @!p1 $0x6000, s23  }
0x103: {  	s25 =	smul.u32 @!p1 $0xC000, s20  }
0x104: {  	s24 =	sshll.u32 @!p1 s24, $0x7;
	s23 =	sshra.s32 @!p1 s23, $0x2  }
0x105: {  	s24 =	sand.u32 @!p1 $0x380, s24;
	s25 =	sshrl.u32 @!p1 s25, $0x2;
	s23 =	sadd.s32 @!p1 s23, s3  }
0x106: {  	s26 =	sadd.s32 @!p1 $0x2580, s25;
	s23 =	sadd.s32 @!p1 s24, s23  }
0x107: {  	[tilespmem:s26], [sflag:$0x3] =	stream.linear.gather @!p1 [spmem:s23], $0x80, $0x38;
	[tilespmem:$0x1A480] =	vst v63  }
0x108: {  	s24 =	sadd.s32 @!p1 $0x400, s23;
	s26 =	sadd.s32 @!p1 $0x2980, s25  }
0x109: {  	[tilespmem:s26], [sflag:$0x3] =	stream.linear.gather @!p1 [spmem:s24], $0x80, $0x38;
	[tilespmem:$0x1A480] =	vst v63  }
0x10a: {  	s24 =	sadd.s32 @!p1 $0x800, s23;
	s26 =	sadd.s32 @!p1 $0x2D80, s25  }
0x10b: {  	[tilespmem:s26], [sflag:$0x3] =	stream.linear.gather @!p1 [spmem:s24], $0x80, $0x38;
	[tilespmem:$0x1A480] =	vst v63  }
0x10c: {  	s24 =	sadd.s32 @!p1 $0xC00, s23;
	s26 =	sadd.s32 @!p1 $0x3180, s25  }
0x10d: {  	[tilespmem:s26], [sflag:$0x3] =	stream.linear.gather @!p1 [spmem:s24], $0x80, $0x38;
	[tilespmem:$0x1A480] =	vst v63  }
0x10e: {  	s24 =	sadd.s32 @!p1 $0x1000, s23;
	s26 =	sadd.s32 @!p1 $0x3580, s25  }
0x10f: {  	[tilespmem:s26], [sflag:$0x3] =	stream.linear.gather @!p1 [spmem:s24], $0x80, $0x38;
	[tilespmem:$0x1A480] =	vst v63  }
0x110: {  	s23 =	sadd.s32 @!p1 $0x1400, s23;
	s25 =	sadd.s32 @!p1 $0x3980, s25;
	s24 =	spop (v2sf)  }
0x111: {  	[tilespmem:s25], [sflag:$0x3] =	stream.linear.gather @!p1 [spmem:s23], $0x80, $0x38;
	[tilespmem:$0x1A480] =	vst v63  }
0x112: {  	p1 =	slt.s32 s24, $0x10000  }
0x113: {  	s23 =	sadd.s32 @!p1 $0xFFFF0000, s24  }
0x114: {  	(v2sf) =	vpush v4, $0x5;
	s23 =	sshrl.u32 @!p1 s23, $0x3  }
0x115: {  	s23 =	smul.u32 @!p1 $0x6000, s23  }
0x116: {  	s25 =	smul.u32 @!p1 $0xC000, s20  }
0x117: {  	s24 =	sshll.u32 @!p1 s24, $0x7;
	s23 =	sshra.s32 @!p1 s23, $0x2  }
0x118: {  	s24 =	sand.u32 @!p1 $0x380, s24;
	s25 =	sshrl.u32 @!p1 s25, $0x2;
	s23 =	sadd.s32 @!p1 s23, s3  }
0x119: {  	s26 =	sadd.s32 @!p1 $0x2600, s25;
	s23 =	sadd.s32 @!p1 s24, s23  }
0x11a: {  	[tilespmem:s26], [sflag:$0x3] =	stream.linear.gather @!p1 [spmem:s23], $0x80, $0x38;
	[tilespmem:$0x1A480] =	vst v63  }
0x11b: {  	s24 =	sadd.s32 @!p1 $0x400, s23;
	s26 =	sadd.s32 @!p1 $0x2A00, s25  }
0x11c: {  	[tilespmem:s26], [sflag:$0x3] =	stream.linear.gather @!p1 [spmem:s24], $0x80, $0x38;
	[tilespmem:$0x1A480] =	vst v63  }
0x11d: {  	s24 =	sadd.s32 @!p1 $0x800, s23;
	s26 =	sadd.s32 @!p1 $0x2E00, s25  }
0x11e: {  	[tilespmem:s26], [sflag:$0x3] =	stream.linear.gather @!p1 [spmem:s24], $0x80, $0x38;
	[tilespmem:$0x1A480] =	vst v63  }
0x11f: {  	s24 =	sadd.s32 @!p1 $0xC00, s23;
	s26 =	sadd.s32 @!p1 $0x3200, s25  }
0x120: {  	[tilespmem:s26], [sflag:$0x3] =	stream.linear.gather @!p1 [spmem:s24], $0x80, $0x38;
	[tilespmem:$0x1A480] =	vst v63  }
0x121: {  	s24 =	sadd.s32 @!p1 $0x1000, s23;
	s26 =	sadd.s32 @!p1 $0x3600, s25  }
0x122: {  	[tilespmem:s26], [sflag:$0x3] =	stream.linear.gather @!p1 [spmem:s24], $0x80, $0x38;
	[tilespmem:$0x1A480] =	vst v63  }
0x123: {  	s23 =	sadd.s32 @!p1 $0x1400, s23;
	s25 =	sadd.s32 @!p1 $0x3A00, s25;
	s24 =	spop (v2sf)  }
0x124: {  	[tilespmem:s25], [sflag:$0x3] =	stream.linear.gather @!p1 [spmem:s23], $0x80, $0x38;
	[tilespmem:$0x1A480] =	vst v63  }
0x125: {  	p1 =	slt.s32 s24, $0x10000  }
0x126: {  	s23 =	sadd.s32 @!p1 $0xFFFF0000, s24  }
0x127: {  	(v2sf) =	vpush v4, $0x6;
	s23 =	sshrl.u32 @!p1 s23, $0x3  }
0x128: {  	s23 =	smul.u32 @!p1 $0x6000, s23  }
0x129: {  	s25 =	smul.u32 @!p1 $0xC000, s20  }
0x12a: {  	s24 =	sshll.u32 @!p1 s24, $0x7;
	s23 =	sshra.s32 @!p1 s23, $0x2  }
0x12b: {  	s24 =	sand.u32 @!p1 $0x380, s24;
	s25 =	sshrl.u32 @!p1 s25, $0x2;
	s23 =	sadd.s32 @!p1 s23, s3  }
0x12c: {  	s26 =	sadd.s32 @!p1 $0x2680, s25;
	s23 =	sadd.s32 @!p1 s24, s23  }
0x12d: {  	[tilespmem:s26], [sflag:$0x3] =	stream.linear.gather @!p1 [spmem:s23], $0x80, $0x38;
	[tilespmem:$0x1A480] =	vst v63  }
0x12e: {  	s24 =	sadd.s32 @!p1 $0x400, s23;
	s26 =	sadd.s32 @!p1 $0x2A80, s25  }
0x12f: {  	[tilespmem:s26], [sflag:$0x3] =	stream.linear.gather @!p1 [spmem:s24], $0x80, $0x38;
	[tilespmem:$0x1A480] =	vst v63  }
0x130: {  	s24 =	sadd.s32 @!p1 $0x800, s23;
	s26 =	sadd.s32 @!p1 $0x2E80, s25  }
0x131: {  	[tilespmem:s26], [sflag:$0x3] =	stream.linear.gather @!p1 [spmem:s24], $0x80, $0x38;
	[tilespmem:$0x1A480] =	vst v63  }
0x132: {  	s24 =	sadd.s32 @!p1 $0xC00, s23;
	s26 =	sadd.s32 @!p1 $0x3280, s25  }
0x133: {  	[tilespmem:s26], [sflag:$0x3] =	stream.linear.gather @!p1 [spmem:s24], $0x80, $0x38;
	[tilespmem:$0x1A480] =	vst v63  }
0x134: {  	s24 =	sadd.s32 @!p1 $0x1000, s23;
	s26 =	sadd.s32 @!p1 $0x3680, s25  }
0x135: {  	[tilespmem:s26], [sflag:$0x3] =	stream.linear.gather @!p1 [spmem:s24], $0x80, $0x38;
	[tilespmem:$0x1A480] =	vst v63  }
0x136: {  	s23 =	sadd.s32 @!p1 $0x1400, s23;
	s25 =	sadd.s32 @!p1 $0x3A80, s25;
	s24 =	spop (v2sf)  }
0x137: {  	[tilespmem:s25], [sflag:$0x3] =	stream.linear.gather @!p1 [spmem:s23], $0x80, $0x38;
	[tilespmem:$0x1A480] =	vst v63  }
0x138: {  	p1 =	slt.s32 s24, $0x10000  }
0x139: {  	s23 =	sadd.s32 @!p1 $0xFFFF0000, s24  }
0x13a: {  	(v2sf) =	vpush v4, $0x7;
	s23 =	sshrl.u32 @!p1 s23, $0x3  }
0x13b: {  	s23 =	smul.u32 @!p1 $0x6000, s23  }
0x13c: {  	s25 =	smul.u32 @!p1 $0xC000, s20  }
0x13d: {  	s24 =	sshll.u32 @!p1 s24, $0x7;
	s23 =	sshra.s32 @!p1 s23, $0x2  }
0x13e: {  	s24 =	sand.u32 @!p1 $0x380, s24;
	s25 =	sshrl.u32 @!p1 s25, $0x2;
	s23 =	sadd.s32 @!p1 s23, s3  }
0x13f: {  	s26 =	sadd.s32 @!p1 $0x2700, s25;
	s23 =	sadd.s32 @!p1 s24, s23  }
0x140: {  	[tilespmem:s26], [sflag:$0x3] =	stream.linear.gather @!p1 [spmem:s23], $0x80, $0x38;
	[tilespmem:$0x1A480] =	vst v63  }
0x141: {  	s24 =	sadd.s32 @!p1 $0x400, s23;
	s26 =	sadd.s32 @!p1 $0x2B00, s25  }
0x142: {  	[tilespmem:s26], [sflag:$0x3] =	stream.linear.gather @!p1 [spmem:s24], $0x80, $0x38;
	[tilespmem:$0x1A480] =	vst v63  }
0x143: {  	s24 =	sadd.s32 @!p1 $0x800, s23;
	s26 =	sadd.s32 @!p1 $0x2F00, s25  }
0x144: {  	[tilespmem:s26], [sflag:$0x3] =	stream.linear.gather @!p1 [spmem:s24], $0x80, $0x38;
	[tilespmem:$0x1A480] =	vst v63  }
0x145: {  	s24 =	sadd.s32 @!p1 $0xC00, s23;
	s26 =	sadd.s32 @!p1 $0x3300, s25  }
0x146: {  	[tilespmem:s26], [sflag:$0x3] =	stream.linear.gather @!p1 [spmem:s24], $0x80, $0x38;
	[tilespmem:$0x1A480] =	vst v63  }
0x147: {  	s24 =	sadd.s32 @!p1 $0x1000, s23;
	s26 =	sadd.s32 @!p1 $0x3700, s25  }
0x148: {  	[tilespmem:s26], [sflag:$0x3] =	stream.linear.gather @!p1 [spmem:s24], $0x80, $0x38;
	[tilespmem:$0x1A480] =	vst v63  }
0x149: {  	s23 =	sadd.s32 @!p1 $0x1400, s23;
	s25 =	sadd.s32 @!p1 $0x3B00, s25;
	s24 =	spop (v2sf)  }
0x14a: {  	[tilespmem:s25], [sflag:$0x3] =	stream.linear.gather @!p1 [spmem:s23], $0x80, $0x38;
	[tilespmem:$0x1A480] =	vst v63  }
0x14b: {  	p1 =	slt.s32 s24, $0x10000  }
0x14c: {  	s23 =	sadd.s32 @!p1 $0xFFFF0000, s24  }
0x14d: {  	(v2sf) =	vpush v4, $0x8;
	s23 =	sshrl.u32 @!p1 s23, $0x3  }
0x14e: {  	s23 =	smul.u32 @!p1 $0x6000, s23  }
0x14f: {  	s25 =	smul.u32 @!p1 $0xC000, s20  }
0x150: {  	s24 =	sshll.u32 @!p1 s24, $0x7;
	s23 =	sshra.s32 @!p1 s23, $0x2  }
0x151: {  	s24 =	sand.u32 @!p1 $0x380, s24;
	s25 =	sshrl.u32 @!p1 s25, $0x2;
	s23 =	sadd.s32 @!p1 s23, s3  }
0x152: {  	s26 =	sadd.s32 @!p1 $0x2780, s25;
	s23 =	sadd.s32 @!p1 s24, s23  }
0x153: {  	[tilespmem:s26], [sflag:$0x3] =	stream.linear.gather @!p1 [spmem:s23], $0x80, $0x38;
	[tilespmem:$0x1A480] =	vst v63  }
0x154: {  	s24 =	sadd.s32 @!p1 $0x400, s23;
	s26 =	sadd.s32 @!p1 $0x2B80, s25  }
0x155: {  	[tilespmem:s26], [sflag:$0x3] =	stream.linear.gather @!p1 [spmem:s24], $0x80, $0x38;
	[tilespmem:$0x1A480] =	vst v63  }
0x156: {  	s24 =	sadd.s32 @!p1 $0x800, s23;
	s26 =	sadd.s32 @!p1 $0x2F80, s25  }
0x157: {  	[tilespmem:s26], [sflag:$0x3] =	stream.linear.gather @!p1 [spmem:s24], $0x80, $0x38;
	[tilespmem:$0x1A480] =	vst v63  }
0x158: {  	s24 =	sadd.s32 @!p1 $0xC00, s23;
	s26 =	sadd.s32 @!p1 $0x3380, s25  }
0x159: {  	[tilespmem:s26], [sflag:$0x3] =	stream.linear.gather @!p1 [spmem:s24], $0x80, $0x38;
	[tilespmem:$0x1A480] =	vst v63  }
0x15a: {  	s24 =	sadd.s32 @!p1 $0x1000, s23;
	s26 =	sadd.s32 @!p1 $0x3780, s25  }
0x15b: {  	[tilespmem:s26], [sflag:$0x3] =	stream.linear.gather @!p1 [spmem:s24], $0x80, $0x38;
	[tilespmem:$0x1A480] =	vst v63  }
0x15c: {  	s23 =	sadd.s32 @!p1 $0x1400, s23;
	s25 =	sadd.s32 @!p1 $0x3B80, s25;
	s24 =	spop (v2sf)  }
0x15d: {  	[tilespmem:s25], [sflag:$0x3] =	stream.linear.gather @!p1 [spmem:s23], $0x80, $0x38;
	[tilespmem:$0x1A480] =	vst v63  }
0x15e: {  	p1 =	slt.s32 s24, $0x10000  }
0x15f: {  	s23 =	sadd.s32 @!p1 $0xFFFF0000, s24  }
0x160: {  	(v2sf) =	vpush v4, $0x9;
	s23 =	sshrl.u32 @!p1 s23, $0x3  }
0x161: {  	s23 =	smul.u32 @!p1 $0x6000, s23  }
0x162: {  	s25 =	smul.u32 @!p1 $0xC000, s20  }
0x163: {  	s24 =	sshll.u32 @!p1 s24, $0x7;
	s23 =	sshra.s32 @!p1 s23, $0x2  }
0x164: {  	s24 =	sand.u32 @!p1 $0x380, s24;
	s25 =	sshrl.u32 @!p1 s25, $0x2;
	s23 =	sadd.s32 @!p1 s23, s3  }
0x165: {  	s26 =	sadd.s32 @!p1 $0x3C00, s25;
	s23 =	sadd.s32 @!p1 s24, s23  }
0x166: {  	[tilespmem:s26], [sflag:$0x3] =	stream.linear.gather @!p1 [spmem:s23], $0x80, $0x38;
	[tilespmem:$0x1A480] =	vst v63  }
0x167: {  	s24 =	sadd.s32 @!p1 $0x400, s23;
	s26 =	sadd.s32 @!p1 $0x4000, s25  }
0x168: {  	[tilespmem:s26], [sflag:$0x3] =	stream.linear.gather @!p1 [spmem:s24], $0x80, $0x38;
	[tilespmem:$0x1A480] =	vst v63  }
0x169: {  	s24 =	sadd.s32 @!p1 $0x800, s23;
	s26 =	sadd.s32 @!p1 $0x4400, s25  }
0x16a: {  	[tilespmem:s26], [sflag:$0x3] =	stream.linear.gather @!p1 [spmem:s24], $0x80, $0x38;
	[tilespmem:$0x1A480] =	vst v63  }
0x16b: {  	s24 =	sadd.s32 @!p1 $0xC00, s23;
	s26 =	sadd.s32 @!p1 $0x4800, s25  }
0x16c: {  	[tilespmem:s26], [sflag:$0x3] =	stream.linear.gather @!p1 [spmem:s24], $0x80, $0x38;
	[tilespmem:$0x1A480] =	vst v63  }
0x16d: {  	s24 =	sadd.s32 @!p1 $0x1000, s23;
	s26 =	sadd.s32 @!p1 $0x4C00, s25  }
0x16e: {  	[tilespmem:s26], [sflag:$0x3] =	stream.linear.gather @!p1 [spmem:s24], $0x80, $0x38;
	[tilespmem:$0x1A480] =	vst v63  }
0x16f: {  	s23 =	sadd.s32 @!p1 $0x1400, s23;
	s25 =	sadd.s32 @!p1 $0x5000, s25;
	s24 =	spop (v2sf)  }
0x170: {  	[tilespmem:s25], [sflag:$0x3] =	stream.linear.gather @!p1 [spmem:s23], $0x80, $0x38;
	[tilespmem:$0x1A480] =	vst v63  }
0x171: {  	p1 =	slt.s32 s24, $0x10000  }
0x172: {  	s23 =	sadd.s32 @!p1 $0xFFFF0000, s24  }
0x173: {  	(v2sf) =	vpush v4, $0xA;
	s23 =	sshrl.u32 @!p1 s23, $0x3  }
0x174: {  	s23 =	smul.u32 @!p1 $0x6000, s23  }
0x175: {  	s25 =	smul.u32 @!p1 $0xC000, s20  }
0x176: {  	s24 =	sshll.u32 @!p1 s24, $0x7;
	s23 =	sshra.s32 @!p1 s23, $0x2  }
0x177: {  	s24 =	sand.u32 @!p1 $0x380, s24;
	s25 =	sshrl.u32 @!p1 s25, $0x2;
	s23 =	sadd.s32 @!p1 s23, s3  }
0x178: {  	s26 =	sadd.s32 @!p1 $0x3C80, s25;
	s23 =	sadd.s32 @!p1 s24, s23  }
0x179: {  	[tilespmem:s26], [sflag:$0x3] =	stream.linear.gather @!p1 [spmem:s23], $0x80, $0x38;
	[tilespmem:$0x1A480] =	vst v63  }
0x17a: {  	s24 =	sadd.s32 @!p1 $0x400, s23;
	s26 =	sadd.s32 @!p1 $0x4080, s25  }
0x17b: {  	[tilespmem:s26], [sflag:$0x3] =	stream.linear.gather @!p1 [spmem:s24], $0x80, $0x38;
	[tilespmem:$0x1A480] =	vst v63  }
0x17c: {  	s24 =	sadd.s32 @!p1 $0x800, s23;
	s26 =	sadd.s32 @!p1 $0x4480, s25  }
0x17d: {  	[tilespmem:s26], [sflag:$0x3] =	stream.linear.gather @!p1 [spmem:s24], $0x80, $0x38;
	[tilespmem:$0x1A480] =	vst v63  }
0x17e: {  	s24 =	sadd.s32 @!p1 $0xC00, s23;
	s26 =	sadd.s32 @!p1 $0x4880, s25  }
0x17f: {  	[tilespmem:s26], [sflag:$0x3] =	stream.linear.gather @!p1 [spmem:s24], $0x80, $0x38;
	[tilespmem:$0x1A480] =	vst v63  }
0x180: {  	s24 =	sadd.s32 @!p1 $0x1000, s23;
	s26 =	sadd.s32 @!p1 $0x4C80, s25  }
0x181: {  	[tilespmem:s26], [sflag:$0x3] =	stream.linear.gather @!p1 [spmem:s24], $0x80, $0x38;
	[tilespmem:$0x1A480] =	vst v63  }
0x182: {  	s23 =	sadd.s32 @!p1 $0x1400, s23;
	s25 =	sadd.s32 @!p1 $0x5080, s25;
	s24 =	spop (v2sf)  }
0x183: {  	[tilespmem:s25], [sflag:$0x3] =	stream.linear.gather @!p1 [spmem:s23], $0x80, $0x38;
	[tilespmem:$0x1A480] =	vst v63  }
0x184: {  	p1 =	slt.s32 s24, $0x10000  }
0x185: {  	s23 =	sadd.s32 @!p1 $0xFFFF0000, s24  }
0x186: {  	(v2sf) =	vpush v4, $0xB;
	s23 =	sshrl.u32 @!p1 s23, $0x3  }
0x187: {  	s23 =	smul.u32 @!p1 $0x6000, s23  }
0x188: {  	s25 =	smul.u32 @!p1 $0xC000, s20  }
0x189: {  	s24 =	sshll.u32 @!p1 s24, $0x7;
	s23 =	sshra.s32 @!p1 s23, $0x2  }
0x18a: {  	s24 =	sand.u32 @!p1 $0x380, s24;
	s25 =	sshrl.u32 @!p1 s25, $0x2;
	s23 =	sadd.s32 @!p1 s23, s3  }
0x18b: {  	s26 =	sadd.s32 @!p1 $0x3D00, s25;
	s23 =	sadd.s32 @!p1 s24, s23  }
0x18c: {  	[tilespmem:s26], [sflag:$0x3] =	stream.linear.gather @!p1 [spmem:s23], $0x80, $0x38;
	[tilespmem:$0x1A480] =	vst v63  }
0x18d: {  	s24 =	sadd.s32 @!p1 $0x400, s23;
	s26 =	sadd.s32 @!p1 $0x4100, s25  }
0x18e: {  	[tilespmem:s26], [sflag:$0x3] =	stream.linear.gather @!p1 [spmem:s24], $0x80, $0x38;
	[tilespmem:$0x1A480] =	vst v63  }
0x18f: {  	s24 =	sadd.s32 @!p1 $0x800, s23;
	s26 =	sadd.s32 @!p1 $0x4500, s25  }
0x190: {  	[tilespmem:s26], [sflag:$0x3] =	stream.linear.gather @!p1 [spmem:s24], $0x80, $0x38;
	[tilespmem:$0x1A480] =	vst v63  }
0x191: {  	s24 =	sadd.s32 @!p1 $0xC00, s23;
	s26 =	sadd.s32 @!p1 $0x4900, s25  }
0x192: {  	[tilespmem:s26], [sflag:$0x3] =	stream.linear.gather @!p1 [spmem:s24], $0x80, $0x38;
	[tilespmem:$0x1A480] =	vst v63  }
0x193: {  	s24 =	sadd.s32 @!p1 $0x1000, s23;
	s26 =	sadd.s32 @!p1 $0x4D00, s25  }
0x194: {  	[tilespmem:s26], [sflag:$0x3] =	stream.linear.gather @!p1 [spmem:s24], $0x80, $0x38;
	[tilespmem:$0x1A480] =	vst v63  }
0x195: {  	s23 =	sadd.s32 @!p1 $0x1400, s23;
	s25 =	sadd.s32 @!p1 $0x5100, s25;
	s24 =	spop (v2sf)  }
0x196: {  	[tilespmem:s25], [sflag:$0x3] =	stream.linear.gather @!p1 [spmem:s23], $0x80, $0x38;
	[tilespmem:$0x1A480] =	vst v63  }
0x197: {  	p1 =	slt.s32 s24, $0x10000  }
0x198: {  	s23 =	sadd.s32 @!p1 $0xFFFF0000, s24  }
0x199: {  	(v2sf) =	vpush v4, $0xC;
	s23 =	sshrl.u32 @!p1 s23, $0x3  }
0x19a: {  	s23 =	smul.u32 @!p1 $0x6000, s23  }
0x19b: {  	s25 =	smul.u32 @!p1 $0xC000, s20  }
0x19c: {  	s24 =	sshll.u32 @!p1 s24, $0x7;
	s23 =	sshra.s32 @!p1 s23, $0x2  }
0x19d: {  	s24 =	sand.u32 @!p1 $0x380, s24;
	s25 =	sshrl.u32 @!p1 s25, $0x2;
	s23 =	sadd.s32 @!p1 s23, s3  }
0x19e: {  	s26 =	sadd.s32 @!p1 $0x3D80, s25;
	s23 =	sadd.s32 @!p1 s24, s23  }
0x19f: {  	[tilespmem:s26], [sflag:$0x3] =	stream.linear.gather @!p1 [spmem:s23], $0x80, $0x38;
	[tilespmem:$0x1A480] =	vst v63  }
0x1a0: {  	s24 =	sadd.s32 @!p1 $0x400, s23;
	s26 =	sadd.s32 @!p1 $0x4180, s25  }
0x1a1: {  	[tilespmem:s26], [sflag:$0x3] =	stream.linear.gather @!p1 [spmem:s24], $0x80, $0x38;
	[tilespmem:$0x1A480] =	vst v63  }
0x1a2: {  	s24 =	sadd.s32 @!p1 $0x800, s23;
	s26 =	sadd.s32 @!p1 $0x4580, s25  }
0x1a3: {  	[tilespmem:s26], [sflag:$0x3] =	stream.linear.gather @!p1 [spmem:s24], $0x80, $0x38;
	[tilespmem:$0x1A480] =	vst v63  }
0x1a4: {  	s24 =	sadd.s32 @!p1 $0xC00, s23;
	s26 =	sadd.s32 @!p1 $0x4980, s25  }
0x1a5: {  	[tilespmem:s26], [sflag:$0x3] =	stream.linear.gather @!p1 [spmem:s24], $0x80, $0x38;
	[tilespmem:$0x1A480] =	vst v63  }
0x1a6: {  	s24 =	sadd.s32 @!p1 $0x1000, s23;
	s26 =	sadd.s32 @!p1 $0x4D80, s25  }
0x1a7: {  	[tilespmem:s26], [sflag:$0x3] =	stream.linear.gather @!p1 [spmem:s24], $0x80, $0x38;
	[tilespmem:$0x1A480] =	vst v63  }
0x1a8: {  	s23 =	sadd.s32 @!p1 $0x1400, s23;
	s25 =	sadd.s32 @!p1 $0x5180, s25;
	s24 =	spop (v2sf)  }
0x1a9: {  	[tilespmem:s25], [sflag:$0x3] =	stream.linear.gather @!p1 [spmem:s23], $0x80, $0x38;
	[tilespmem:$0x1A480] =	vst v63  }
0x1aa: {  	p1 =	slt.s32 s24, $0x10000  }
0x1ab: {  	s23 =	sadd.s32 @!p1 $0xFFFF0000, s24  }
0x1ac: {  	(v2sf) =	vpush v4, $0xD;
	s23 =	sshrl.u32 @!p1 s23, $0x3  }
0x1ad: {  	s23 =	smul.u32 @!p1 $0x6000, s23  }
0x1ae: {  	s25 =	smul.u32 @!p1 $0xC000, s20  }
0x1af: {  	s24 =	sshll.u32 @!p1 s24, $0x7;
	s23 =	sshra.s32 @!p1 s23, $0x2  }
0x1b0: {  	s24 =	sand.u32 @!p1 $0x380, s24;
	s25 =	sshrl.u32 @!p1 s25, $0x2;
	s23 =	sadd.s32 @!p1 s23, s3  }
0x1b1: {  	s26 =	sadd.s32 @!p1 $0x3E00, s25;
	s23 =	sadd.s32 @!p1 s24, s23  }
0x1b2: {  	[tilespmem:s26], [sflag:$0x3] =	stream.linear.gather @!p1 [spmem:s23], $0x80, $0x38;
	[tilespmem:$0x1A480] =	vst v63  }
0x1b3: {  	s24 =	sadd.s32 @!p1 $0x400, s23;
	s26 =	sadd.s32 @!p1 $0x4200, s25  }
0x1b4: {  	[tilespmem:s26], [sflag:$0x3] =	stream.linear.gather @!p1 [spmem:s24], $0x80, $0x38;
	[tilespmem:$0x1A480] =	vst v63  }
0x1b5: {  	s24 =	sadd.s32 @!p1 $0x800, s23;
	s26 =	sadd.s32 @!p1 $0x4600, s25  }
0x1b6: {  	[tilespmem:s26], [sflag:$0x3] =	stream.linear.gather @!p1 [spmem:s24], $0x80, $0x38;
	[tilespmem:$0x1A480] =	vst v63  }
0x1b7: {  	s24 =	sadd.s32 @!p1 $0xC00, s23;
	s26 =	sadd.s32 @!p1 $0x4A00, s25  }
0x1b8: {  	[tilespmem:s26], [sflag:$0x3] =	stream.linear.gather @!p1 [spmem:s24], $0x80, $0x38;
	[tilespmem:$0x1A480] =	vst v63  }
0x1b9: {  	s24 =	sadd.s32 @!p1 $0x1000, s23;
	s26 =	sadd.s32 @!p1 $0x4E00, s25  }
0x1ba: {  	[tilespmem:s26], [sflag:$0x3] =	stream.linear.gather @!p1 [spmem:s24], $0x80, $0x38;
	[tilespmem:$0x1A480] =	vst v63  }
0x1bb: {  	s23 =	sadd.s32 @!p1 $0x1400, s23;
	s25 =	sadd.s32 @!p1 $0x5200, s25;
	s24 =	spop (v2sf)  }
0x1bc: {  	[tilespmem:s25], [sflag:$0x3] =	stream.linear.gather @!p1 [spmem:s23], $0x80, $0x38;
	[tilespmem:$0x1A480] =	vst v63  }
0x1bd: {  	p1 =	slt.s32 s24, $0x10000  }
0x1be: {  	s23 =	sadd.s32 @!p1 $0xFFFF0000, s24  }
0x1bf: {  	(v2sf) =	vpush v4, $0xE;
	s23 =	sshrl.u32 @!p1 s23, $0x3  }
0x1c0: {  	s23 =	smul.u32 @!p1 $0x6000, s23  }
0x1c1: {  	s25 =	smul.u32 @!p1 $0xC000, s20  }
0x1c2: {  	s24 =	sshll.u32 @!p1 s24, $0x7;
	s23 =	sshra.s32 @!p1 s23, $0x2  }
0x1c3: {  	s24 =	sand.u32 @!p1 $0x380, s24;
	s25 =	sshrl.u32 @!p1 s25, $0x2;
	s23 =	sadd.s32 @!p1 s23, s3  }
0x1c4: {  	s26 =	sadd.s32 @!p1 $0x3E80, s25;
	s23 =	sadd.s32 @!p1 s24, s23  }
0x1c5: {  	[tilespmem:s26], [sflag:$0x3] =	stream.linear.gather @!p1 [spmem:s23], $0x80, $0x38;
	[tilespmem:$0x1A480] =	vst v63  }
0x1c6: {  	s24 =	sadd.s32 @!p1 $0x400, s23;
	s26 =	sadd.s32 @!p1 $0x4280, s25  }
0x1c7: {  	[tilespmem:s26], [sflag:$0x3] =	stream.linear.gather @!p1 [spmem:s24], $0x80, $0x38;
	[tilespmem:$0x1A480] =	vst v63  }
0x1c8: {  	s24 =	sadd.s32 @!p1 $0x800, s23;
	s26 =	sadd.s32 @!p1 $0x4680, s25  }
0x1c9: {  	[tilespmem:s26], [sflag:$0x3] =	stream.linear.gather @!p1 [spmem:s24], $0x80, $0x38;
	[tilespmem:$0x1A480] =	vst v63  }
0x1ca: {  	s24 =	sadd.s32 @!p1 $0xC00, s23;
	s26 =	sadd.s32 @!p1 $0x4A80, s25  }
0x1cb: {  	[tilespmem:s26], [sflag:$0x3] =	stream.linear.gather @!p1 [spmem:s24], $0x80, $0x38;
	[tilespmem:$0x1A480] =	vst v63  }
0x1cc: {  	s24 =	sadd.s32 @!p1 $0x1000, s23;
	s26 =	sadd.s32 @!p1 $0x4E80, s25  }
0x1cd: {  	[tilespmem:s26], [sflag:$0x3] =	stream.linear.gather @!p1 [spmem:s24], $0x80, $0x38;
	[tilespmem:$0x1A480] =	vst v63  }
0x1ce: {  	s23 =	sadd.s32 @!p1 $0x1400, s23;
	s25 =	sadd.s32 @!p1 $0x5280, s25;
	s24 =	spop (v2sf)  }
0x1cf: {  	[tilespmem:s25], [sflag:$0x3] =	stream.linear.gather @!p1 [spmem:s23], $0x80, $0x38;
	[tilespmem:$0x1A480] =	vst v63  }
0x1d0: {  	p1 =	slt.s32 s24, $0x10000  }
0x1d1: {  	s23 =	sadd.s32 @!p1 $0xFFFF0000, s24  }
0x1d2: {  	(v2sf) =	vpush v4, $0xF;
	s23 =	sshrl.u32 @!p1 s23, $0x3  }
0x1d3: {  	s23 =	smul.u32 @!p1 $0x6000, s23  }
0x1d4: {  	s25 =	smul.u32 @!p1 $0xC000, s20  }
0x1d5: {  	s24 =	sshll.u32 @!p1 s24, $0x7;
	s23 =	sshra.s32 @!p1 s23, $0x2  }
0x1d6: {  	s24 =	sand.u32 @!p1 $0x380, s24;
	s25 =	sshrl.u32 @!p1 s25, $0x2;
	s23 =	sadd.s32 @!p1 s23, s3  }
0x1d7: {  	s26 =	sadd.s32 @!p1 $0x3F00, s25;
	s23 =	sadd.s32 @!p1 s24, s23  }
0x1d8: {  	[tilespmem:s26], [sflag:$0x3] =	stream.linear.gather @!p1 [spmem:s23], $0x80, $0x38;
	[tilespmem:$0x1A480] =	vst v63  }
0x1d9: {  	s24 =	sadd.s32 @!p1 $0x400, s23;
	s26 =	sadd.s32 @!p1 $0x4300, s25  }
0x1da: {  	[tilespmem:s26], [sflag:$0x3] =	stream.linear.gather @!p1 [spmem:s24], $0x80, $0x38;
	[tilespmem:$0x1A480] =	vst v63  }
0x1db: {  	s24 =	sadd.s32 @!p1 $0x800, s23;
	s26 =	sadd.s32 @!p1 $0x4700, s25  }
0x1dc: {  	[tilespmem:s26], [sflag:$0x3] =	stream.linear.gather @!p1 [spmem:s24], $0x80, $0x38;
	[tilespmem:$0x1A480] =	vst v63  }
0x1dd: {  	s24 =	sadd.s32 @!p1 $0xC00, s23;
	s26 =	sadd.s32 @!p1 $0x4B00, s25  }
0x1de: {  	[tilespmem:s26], [sflag:$0x3] =	stream.linear.gather @!p1 [spmem:s24], $0x80, $0x38;
	[tilespmem:$0x1A480] =	vst v63  }
0x1df: {  	s24 =	sadd.s32 @!p1 $0x1000, s23;
	s26 =	sadd.s32 @!p1 $0x4F00, s25  }
0x1e0: {  	[tilespmem:s26], [sflag:$0x3] =	stream.linear.gather @!p1 [spmem:s24], $0x80, $0x38;
	[tilespmem:$0x1A480] =	vst v63  }
0x1e1: {  	s23 =	sadd.s32 @!p1 $0x1400, s23;
	s25 =	sadd.s32 @!p1 $0x5300, s25;
	s24 =	spop (v2sf)  }
0x1e2: {  	[tilespmem:s25], [sflag:$0x3] =	stream.linear.gather @!p1 [spmem:s23], $0x80, $0x38;
	[tilespmem:$0x1A480] =	vst v63  }
0x1e3: {  	p1 =	slt.s32 s24, $0x10000  }
0x1e4: {  	s23 =	sadd.s32 @!p1 $0xFFFF0000, s24  }
0x1e5: {  	s23 =	sshrl.u32 @!p1 s23, $0x3  }
0x1e6: {  	s23 =	smul.u32 @!p1 $0x6000, s23  }
0x1e7: {  	s25 =	smul.u32 @!p1 $0xC000, s20  }
0x1e8: {  	s24 =	sshll.u32 @!p1 s24, $0x7;
	s23 =	sshra.s32 @!p1 s23, $0x2  }
0x1e9: {  	s24 =	sand.u32 @!p1 $0x380, s24;
	s25 =	sshrl.u32 @!p1 s25, $0x2;
	s23 =	sadd.s32 @!p1 s23, s3  }
0x1ea: {  	s26 =	sadd.s32 @!p1 $0x3F80, s25;
	s23 =	sadd.s32 @!p1 s24, s23  }
0x1eb: {  	[tilespmem:s26], [sflag:$0x3] =	stream.linear.gather @!p1 [spmem:s23], $0x80, $0x38;
	[tilespmem:$0x1A480] =	vst v63  }
0x1ec: {  	s24 =	sadd.s32 @!p1 $0x400, s23;
	s26 =	sadd.s32 @!p1 $0x4380, s25  }
0x1ed: {  	[tilespmem:s26], [sflag:$0x3] =	stream.linear.gather @!p1 [spmem:s24], $0x80, $0x38;
	[tilespmem:$0x1A480] =	vst v63  }
0x1ee: {  	s24 =	sadd.s32 @!p1 $0x800, s23;
	s26 =	sadd.s32 @!p1 $0x4780, s25  }
0x1ef: {  	[tilespmem:s26], [sflag:$0x3] =	stream.linear.gather @!p1 [spmem:s24], $0x80, $0x38;
	[tilespmem:$0x1A480] =	vst v63  }
0x1f0: {  	s24 =	sadd.s32 @!p1 $0xC00, s23;
	s26 =	sadd.s32 @!p1 $0x4B80, s25  }
0x1f1: {  	[tilespmem:s26], [sflag:$0x3] =	stream.linear.gather @!p1 [spmem:s24], $0x80, $0x38;
	[tilespmem:$0x1A480] =	vst v63  }
0x1f2: {  	s24 =	sadd.s32 @!p1 $0x1000, s23;
	s26 =	sadd.s32 @!p1 $0x4F80, s25  }
0x1f3: {  	[tilespmem:s26], [sflag:$0x3] =	stream.linear.gather @!p1 [spmem:s24], $0x80, $0x38;
	[tilespmem:$0x1A480] =	vst v63  }
0x1f4: {  	s23 =	sadd.s32 @!p1 $0x1400, s23;
	s24 =	sadd.s32 @!p1 $0x5380, s25  }
0x1f5: {  	[tilespmem:s24], [sflag:$0x3] =	stream.linear.gather @!p1 [spmem:s23], $0x80, $0x38;
	[tilespmem:$0x1A480] =	vst v63  }
.LBB2_15:
0x1f6: {  	s23 =	sand.u32 $0x1, s19  }
0x1f7: {  	s18 =	sadd.s32 s18, s22;
	p1 =	seq.s32 s23, $0x0  }
0x1f8: {  	p2 =	slt.s32 @!p1 s18, $0x1  }
0x1f9: {  	p1 =	por p1, p2  }
.Ltmp12:
0x1fa: {  	_ = 	snop;
	(pc) =	sbr.rel @p1 .LBB2_19-.Ltmp12, $3  }
0x1fb: {  	_ =	sdelay $0x1  }
0x1fc: {  	v4 =	vsel vm0, $0x1, v3  }
0x1fd: {  	[tilespmem:s21+$0xE400] =	vst v4  }
0x1fe: {  	p1 =	sne.s32 s18, $0x1  }
.Ltmp13:
0x1ff: {  	_ = 	snop;
	(pc) =	sbr.rel @!p1 .LBB2_18-.Ltmp13, $3  }
0x200: {  	_ =	sdelay $0x1  }
0x201: {  	_ =	swait.ge [sflag:s14], $0x300  }
0x202: {  	s21 =	sadd.s32 $0xFFFFFFFF, s18;
	[sflag:s14] =	ssyncset.done $0x0  }
.LBB2_17:
0x203: {  	p1 =	sne.s32 s21, $0x1;
	s21 =	sadd.s32 $0xFFFFFFFF, s21;
	[sflag:s14] =	ssyncadd.s32 $0xFFFFFD00  }
.Ltmp14:
0x204: {  	(pc) =	sbr.rel @p1 .LBB2_17-.Ltmp14, $3  }
0x205: {  	_ =	sdelay $0x1  }
0x206: {  	_ =	swait.ge [sflag:s14], $0x300  }
0x207: {  	[sflag:s14] =	ssyncset.done $0x0  }
.Ltmp15:
0x208: {  	_ = 	snop;
	(pc) =	sbr.rel .LBB2_18-.Ltmp15, $1  }
0x209: {  	_ =	sdelay $0x3  }
.LBB2_3:
.Ltmp16:
0x20a: {  	(pc) =	sbr.rel .LBB2_7-.Ltmp16, $2  }
0x20b: {  	_ =	sdelay $0x2  }
0x20c: {  	s18 =	simm.s32 $0x0;
	v10 =	vimm.s32 $0xFFFFFFFF  }
.LBB2_5:
.Ltmp17:
0x20d: {  	(pc) =	sbr.rel .LBB2_7-.Ltmp17, $2  }
0x20e: {  	_ =	sdelay $0x2  }
0x20f: {  	v10 =	vimm.s32 $0xFFFFFFFF  }
.LBB2_21:
0x210: {  	_ =	sfence.sel $0x180000  }
0x211: {  	[bflag:$0x0] =	sbarrier.arrive $0xFFFF  }
0x212: {  	p0 =	sne.s32 s1, $0x0;
	_ =	strace $0x90000047  }
0x213: {  	s0 =	sadd.s32 @!p0 $0x100000, s0;
	[bflag:$0x2] =	sbarrier.arrive $0xFFFF  }
0x214: {  	[sflag:s0] =	ssyncadd.tile.s32 @!p0 $0x1;
	_ =	shalt  }
.Lfunc_end2:
_tile_overlayer_lowered:
.L_overlay_start_2:
0x215: {  	(tag) =	ssettag $0x2  }
0x216: {  	s0 =	rddreg [dreg:$0x0];
	s2 =	stileid.u32  }
0x217: {  	s1 =	rddreg [dreg:$0x1];
	p0 =	sne.s32 s2, $0x0  }
0x218: {  	s3 =	rddreg [dreg:$0x2];
	[bflag:$0x3] =	sbarrier.arrive $0xFFFF;
	s2 =	simm.s32 @!p0 $0x1C04  }
0x219: {  	[timem:s3], [sflag:s2] =	dma.local @!p0 [hbm:s0], s1  }
0x21a: {  	s0 =	simm.s32 @!p0 $0x4  }
0x21b: {  	_ =	swait.ge @!p0 [sflag:s0], s1  }
0x21c: {  	s1 =	ssub.s32 @!p0 $0x0, s1;
	[sflag:s0] =	ssyncset.done @!p0 $0x0  }
0x21d: {  	[sflag:s0] =	ssyncadd.s32 @!p0 s1  }
0x21e: {  	[bflag:$0x3] =	sbarrier.arrive $0xFFFF  }
0x21f: {  	_ =	shalt  }

</sc_bundles>
